<compile_context>
chip_gen: v7x
topology: tpu7x:2x2x1
jax: 0.10.2.dev20260603
libtpu: 0.0.44.dev20260713+nightly
codegen_flags: <defaults>
</compile_context>

<pallas_src>
import jax
import jax.numpy as jnp
from jax import lax
from jax.experimental import pallas as pl
from jax.experimental.pallas import tpu as pltpu
from jax.experimental.pallas import tpu_sc as plsc


_LANES = 16
_NW = 32
_RING = 4
_AHEAD = 1


def _sc_add(x2d, pos_emb, chunk_rows=8):
    R, D = x2d.shape
    S = pos_emb.shape[0]
    B = R // S
    C = chunk_rows
    s_per_w = S // _NW
    n_chunks = s_per_w // C
    n_groups = n_chunks // _RING
    mesh = plsc.VectorSubcoreMesh(core_axis_name="c", subcore_axis_name="s")

    def body(x_hbm, pe_hbm, out_hbm, xbuf, pebuf, load_sems, store_sems):
        wid = lax.axis_index("s") * 2 + lax.axis_index("c")
        s_base = wid * s_per_w

        def load_descs(k, slot):
            s0 = s_base + k * C
            descs = [
                pltpu.make_async_copy(
                    pe_hbm.at[pl.ds(s0, C)], pebuf.at[slot], load_sems.at[slot]
                )
            ]
            for b in range(B):
                descs.append(
                    pltpu.make_async_copy(
                        x_hbm.at[pl.ds(b * S + s0, C)],
                        xbuf.at[slot, b],
                        load_sems.at[slot],
                    )
                )
            return descs

        def store_descs(k, slot):
            s0 = s_base + k * C
            return [
                pltpu.make_async_copy(
                    xbuf.at[slot, b],
                    out_hbm.at[pl.ds(b * S + s0, C)],
                    store_sems.at[slot],
                )
                for b in range(B)
            ]

        def compute(slot):
            def row_add(r, carry):
                for k in range(D // _LANES):
                    sl = pl.ds(k * _LANES, _LANES)
                    pv = pebuf[slot, r, sl]
                    for b in range(B):
                        plsc.addupdate(xbuf.at[slot, b, r, sl], pv)
                return carry

            lax.fori_loop(0, C, row_add, 0, unroll=False)

        slack = _RING - _AHEAD

        def group(g, carry):
            for j in range(_RING):
                k = g * _RING + j
                slot_ahead = (j + _AHEAD) % _RING

                @pl.when(k >= slack)
                def _():
                    for d in store_descs(k - slack, slot_ahead):
                        d.wait()

                for d in store_descs(k, j):
                    d.start()
            return carry

        lax.fori_loop(0, n_groups, group, 0, unroll=False)
        for k in range(n_chunks - slack, n_chunks):
            for d in store_descs(k, k % _RING):
                d.wait()

    fn = pl.kernel(
        body,
        out_type=jax.ShapeDtypeStruct((R, D), x2d.dtype),
        mesh=mesh,
        scratch_types=[
            pltpu.VMEM((_RING, B, C, D), jnp.float32),
            pltpu.VMEM((_RING, C, D), jnp.float32),
            pltpu.SemaphoreType.DMA((_RING,)),
            pltpu.SemaphoreType.DMA((_RING,)),
        ],
    )
    return fn(x2d, pos_emb)


def kernel(x, pos_emb):
    B, S, D = x.shape
    x2d = x.reshape(B * S, D)
    out2d = _sc_add(x2d, pos_emb[:S])
    return out2d.reshape(B, S, D)

# --- scband reference (transcript-rebuilt; emitter-appended) ---
"""Pipeline reference for scband-learnable-positional-encoding-15410342658397 (READ-ONLY COPY).

The authoritative reference and input builder live on the scoring server;
editing this copy changes nothing except your own understanding.
"""

import jax, jax.numpy as jnp
import numpy as np

D_MODEL = 768
MAX_LEN = 8192
BATCH = 4
SEQ_LEN = 8192

def setup_inputs(seed: int = 0) -> dict:
    key = jax.random.key(seed)
    k_x, k_emb = jax.random.split(key)
    x = jax.random.normal(k_x, (BATCH, SEQ_LEN, D_MODEL), dtype=jnp.float32)
    # nn.Embedding default init: N(0, 1)
    pos_emb = jax.random.normal(k_emb, (MAX_LEN, D_MODEL), dtype=jnp.float32)
    return {"x": x, "pos_emb": pos_emb}

def reference(x, pos_emb):
    batch_size, seq_len, _ = x.shape
    positions = jnp.arange(seq_len)  # [S]
    positions = jnp.broadcast_to(positions[None, :], (batch_size, seq_len))  # [B, S]
    pe = jnp.take(pos_emb, positions, axis=0)  # [B, S, D] embedding gather
    return x + pe

if __name__ == "__main__":
    import jax
    _d = setup_inputs()
    print(jax.jit(kernel)(*tuple(_d.values())))

</pallas_src>

<mosaic_0001>
#map = affine_map<(d0, d1) -> (0, 0)>
module attributes {stable_mosaic.version = 14 : i64} {
  func.func @body(%arg0: i32, %arg1: i32, %arg2: memref<32768x768xf32, #tpu.memory_space<hbm>>, %arg3: memref<8192x768xf32, #tpu.memory_space<hbm>>, %arg4: memref<32768x768xf32, #tpu.memory_space<hbm>>, %arg5: memref<4x4x8x768xf32, #tpu.memory_space<vmem>>, %arg6: memref<4x8x768xf32, #tpu.memory_space<vmem>>, %arg7: memref<4x!tpu.dma_semaphore, #tpu.memory_space<semaphore_mem>>, %arg8: memref<4x!tpu.dma_semaphore, #tpu.memory_space<semaphore_mem>>) attributes {dimension_semantics = [#tpu.dimension_semantics<core_parallel>, #tpu.dimension_semantics<subcore_parallel>], iteration_bounds = array<i64: 2, 16>, scalar_prefetch = 0 : i64, scratch_operands = 4 : i64, tpu.core_type = #tpu.core_type<sc_vector_subcore>, window_params = [{transform_indices = #map}, {transform_indices = #map}, {transform_indices = #map}]} {
    %mul3A = arith.constant 2 : i32
    %mul3A_0 = arith.muli %arg1, %mul3A : i32
    %add3A = arith.addi %mul3A_0, %arg0 : i32
    %mul3A_1 = arith.constant 256 : i32
    %mul3A_2 = arith.muli %add3A, %mul3A_1 : i32
    %scan3A = arith.constant 0 : i32
    %scan3A_3 = arith.constant 0 : i32
    %scan3A_4 = arith.constant 8 : i32
    %scan3A_5 = arith.addi %scan3A_3, %scan3A_4 : i32
    %scan3A_6 = arith.constant 1 : i32
    scf.for %scan3A_241 = %scan3A_3 to %scan3A_5 step %scan3A_6  : i32 {
      %mul3A_242 = arith.constant 4 : i32
      %mul3A_243 = arith.muli %scan3A_241, %mul3A_242 : i32
      %add3A_244 = arith.constant 0 : i32
      %add3A_245 = arith.addi %mul3A_243, %add3A_244 : i32
      %ge3A = arith.constant 3 : i32
      %ge3A_246 = arith.cmpi sge, %add3A_245, %ge3A : i32
      %convert_element_type3A = arith.extui %ge3A_246 : i1 to i32
      %cond3A = arith.constant 0 : i32
      %cond3A_247 = arith.cmpi ne, %convert_element_type3A, %cond3A : i32
      scf.if %cond3A_247 {
        %sub3A = arith.constant 3 : i32
        %sub3A_590 = arith.subi %add3A_245, %sub3A : i32
        %mul3A_591 = arith.constant 8 : i32
        %mul3A_592 = arith.muli %sub3A_590, %mul3A_591 : i32
        %add3A_593 = arith.addi %mul3A_2, %mul3A_592 : i32
        %add3A_594 = arith.constant 0 : i32
        %add3A_595 = arith.addi %add3A_594, %add3A_593 : i32
        %add3A_596 = arith.constant 8192 : i32
        %add3A_597 = arith.addi %add3A_596, %add3A_593 : i32
        %add3A_598 = arith.constant 16384 : i32
        %add3A_599 = arith.addi %add3A_598, %add3A_593 : i32
        %add3A_600 = arith.constant 24576 : i32
        %add3A_601 = arith.addi %add3A_600, %add3A_593 : i32
        %dma_wait3A_602 = arith.constant 1 : i32
        %dma_wait3A_603 = arith.constant 0 : i32
        %dma_wait3A_604 = arith.constant 1 : i32
        %dma_wait3A_605 = arith.constant 0 : i32
        %dma_wait3A_606 = arith.constant 0 : i32
        %dma_wait3A_607 = tpu.memref_slice %arg5[%dma_wait3A_602, %dma_wait3A_603, %dma_wait3A_605, %dma_wait3A_606] : memref<4x4x8x768xf32, #tpu.memory_space<vmem>> -> memref<1x1x8x768xf32, #tpu.memory_space<vmem>>
        %dma_wait3A_608 = tpu.memref_squeeze %dma_wait3A_607 : memref<1x1x8x768xf32, #tpu.memory_space<vmem>> -> memref<8x768xf32, #tpu.memory_space<vmem>>
        %dma_wait3A_609 = arith.constant 0 : i32
        %dma_wait3A_610 = tpu.memref_slice %arg4[%add3A_595, %dma_wait3A_609] : memref<32768x768xf32, #tpu.memory_space<hbm>> -> memref<8x768xf32, #tpu.memory_space<hbm>>
        %dma_wait3A_611 = tpu.memref_slice %arg8[%dma_wait3A_604] : memref<4x!tpu.dma_semaphore, #tpu.memory_space<semaphore_mem>> -> memref<1x!tpu.dma_semaphore, #tpu.memory_space<semaphore_mem>>
        %dma_wait3A_612 = tpu.memref_squeeze %dma_wait3A_611 : memref<1x!tpu.dma_semaphore, #tpu.memory_space<semaphore_mem>> -> memref<!tpu.dma_semaphore, #tpu.memory_space<semaphore_mem>>
        %dma_wait3A_613 = arith.constant 0 : i32
        %dma_wait3A_614 = tpu.memref_slice %arg4[%add3A_595, %dma_wait3A_613] : memref<32768x768xf32, #tpu.memory_space<hbm>> -> memref<8x768xf32, #tpu.memory_space<hbm>>
        %dma_wait3A_615 = arith.constant 0 : i32
        %dma_wait3A_616 = arith.constant 0 : i32
        %dma_wait3A_617 = tpu.memref_slice %arg5[%dma_wait3A_602, %dma_wait3A_603, %dma_wait3A_615, %dma_wait3A_616] : memref<4x4x8x768xf32, #tpu.memory_space<vmem>> -> memref<1x1x8x768xf32, #tpu.memory_space<vmem>>
        %dma_wait3A_618 = tpu.memref_squeeze %dma_wait3A_617 : memref<1x1x8x768xf32, #tpu.memory_space<vmem>> -> memref<8x768xf32, #tpu.memory_space<vmem>>
        tpu.wait_dma2 semaphore(%dma_wait3A_612 : memref<!tpu.dma_semaphore, #tpu.memory_space<semaphore_mem>>) src(%dma_wait3A_618 : memref<8x768xf32, #tpu.memory_space<vmem>>) dst(%dma_wait3A_614 : memref<8x768xf32, #tpu.memory_space<hbm>>)
        %dma_wait3A_619 = arith.constant 1 : i32
        %dma_wait3A_620 = arith.constant 1 : i32
        %dma_wait3A_621 = arith.constant 1 : i32
        %dma_wait3A_622 = arith.constant 0 : i32
        %dma_wait3A_623 = arith.constant 0 : i32
        %dma_wait3A_624 = tpu.memref_slice %arg5[%dma_wait3A_619, %dma_wait3A_620, %dma_wait3A_622, %dma_wait3A_623] : memref<4x4x8x768xf32, #tpu.memory_space<vmem>> -> memref<1x1x8x768xf32, #tpu.memory_space<vmem>>
        %dma_wait3A_625 = tpu.memref_squeeze %dma_wait3A_624 : memref<1x1x8x768xf32, #tpu.memory_space<vmem>> -> memref<8x768xf32, #tpu.memory_space<vmem>>
        %dma_wait3A_626 = arith.constant 0 : i32
        %dma_wait3A_627 = tpu.memref_slice %arg4[%add3A_597, %dma_wait3A_626] : memref<32768x768xf32, #tpu.memory_space<hbm>> -> memref<8x768xf32, #tpu.memory_space<hbm>>
        %dma_wait3A_628 = tpu.memref_slice %arg8[%dma_wait3A_621] : memref<4x!tpu.dma_semaphore, #tpu.memory_space<semaphore_mem>> -> memref<1x!tpu.dma_semaphore, #tpu.memory_space<semaphore_mem>>
        %dma_wait3A_629 = tpu.memref_squeeze %dma_wait3A_628 : memref<1x!tpu.dma_semaphore, #tpu.memory_space<semaphore_mem>> -> memref<!tpu.dma_semaphore, #tpu.memory_space<semaphore_mem>>
        %dma_wait3A_630 = arith.constant 0 : i32
        %dma_wait3A_631 = tpu.memref_slice %arg4[%add3A_597, %dma_wait3A_630] : memref<32768x768xf32, #tpu.memory_space<hbm>> -> memref<8x768xf32, #tpu.memory_space<hbm>>
        %dma_wait3A_632 = arith.constant 0 : i32
        %dma_wait3A_633 = arith.constant 0 : i32
        %dma_wait3A_634 = tpu.memref_slice %arg5[%dma_wait3A_619, %dma_wait3A_620, %dma_wait3A_632, %dma_wait3A_633] : memref<4x4x8x768xf32, #tpu.memory_space<vmem>> -> memref<1x1x8x768xf32, #tpu.memory_space<vmem>>
        %dma_wait3A_635 = tpu.memref_squeeze %dma_wait3A_634 : memref<1x1x8x768xf32, #tpu.memory_space<vmem>> -> memref<8x768xf32, #tpu.memory_space<vmem>>
        tpu.wait_dma2 semaphore(%dma_wait3A_629 : memref<!tpu.dma_semaphore, #tpu.memory_space<semaphore_mem>>) src(%dma_wait3A_635 : memref<8x768xf32, #tpu.memory_space<vmem>>) dst(%dma_wait3A_631 : memref<8x768xf32, #tpu.memory_space<hbm>>)
        %dma_wait3A_636 = arith.constant 1 : i32
        %dma_wait3A_637 = arith.constant 2 : i32
        %dma_wait3A_638 = arith.constant 1 : i32
        %dma_wait3A_639 = arith.constant 0 : i32
        %dma_wait3A_640 = arith.constant 0 : i32
        %dma_wait3A_641 = tpu.memref_slice %arg5[%dma_wait3A_636, %dma_wait3A_637, %dma_wait3A_639, %dma_wait3A_640] : memref<4x4x8x768xf32, #tpu.memory_space<vmem>> -> memref<1x1x8x768xf32, #tpu.memory_space<vmem>>
        %dma_wait3A_642 = tpu.memref_squeeze %dma_wait3A_641 : memref<1x1x8x768xf32, #tpu.memory_space<vmem>> -> memref<8x768xf32, #tpu.memory_space<vmem>>
        %dma_wait3A_643 = arith.constant 0 : i32
        %dma_wait3A_644 = tpu.memref_slice %arg4[%add3A_599, %dma_wait3A_643] : memref<32768x768xf32, #tpu.memory_space<hbm>> -> memref<8x768xf32, #tpu.memory_space<hbm>>
        %dma_wait3A_645 = tpu.memref_slice %arg8[%dma_wait3A_638] : memref<4x!tpu.dma_semaphore, #tpu.memory_space<semaphore_mem>> -> memref<1x!tpu.dma_semaphore, #tpu.memory_space<semaphore_mem>>
        %dma_wait3A_646 = tpu.memref_squeeze %dma_wait3A_645 : memref<1x!tpu.dma_semaphore, #tpu.memory_space<semaphore_mem>> -> memref<!tpu.dma_semaphore, #tpu.memory_space<semaphore_mem>>
        %dma_wait3A_647 = arith.constant 0 : i32
        %dma_wait3A_648 = tpu.memref_slice %arg4[%add3A_599, %dma_wait3A_647] : memref<32768x768xf32, #tpu.memory_space<hbm>> -> memref<8x768xf32, #tpu.memory_space<hbm>>
        %dma_wait3A_649 = arith.constant 0 : i32
        %dma_wait3A_650 = arith.constant 0 : i32
        %dma_wait3A_651 = tpu.memref_slice %arg5[%dma_wait3A_636, %dma_wait3A_637, %dma_wait3A_649, %dma_wait3A_650] : memref<4x4x8x768xf32, #tpu.memory_space<vmem>> -> memref<1x1x8x768xf32, #tpu.memory_space<vmem>>
        %dma_wait3A_652 = tpu.memref_squeeze %dma_wait3A_651 : memref<1x1x8x768xf32, #tpu.memory_space<vmem>> -> memref<8x768xf32, #tpu.memory_space<vmem>>
        tpu.wait_dma2 semaphore(%dma_wait3A_646 : memref<!tpu.dma_semaphore, #tpu.memory_space<semaphore_mem>>) src(%dma_wait3A_652 : memref<8x768xf32, #tpu.memory_space<vmem>>) dst(%dma_wait3A_648 : memref<8x768xf32, #tpu.memory_space<hbm>>)
        %dma_wait3A_653 = arith.constant 1 : i32
        %dma_wait3A_654 = arith.constant 3 : i32
        %dma_wait3A_655 = arith.constant 1 : i32
        %dma_wait3A_656 = arith.constant 0 : i32
        %dma_wait3A_657 = arith.constant 0 : i32
        %dma_wait3A_658 = tpu.memref_slice %arg5[%dma_wait3A_653, %dma_wait3A_654, %dma_wait3A_656, %dma_wait3A_657] : memref<4x4x8x768xf32, #tpu.memory_space<vmem>> -> memref<1x1x8x768xf32, #tpu.memory_space<vmem>>
        %dma_wait3A_659 = tpu.memref_squeeze %dma_wait3A_658 : memref<1x1x8x768xf32, #tpu.memory_space<vmem>> -> memref<8x768xf32, #tpu.memory_space<vmem>>
        %dma_wait3A_660 = arith.constant 0 : i32
        %dma_wait3A_661 = tpu.memref_slice %arg4[%add3A_601, %dma_wait3A_660] : memref<32768x768xf32, #tpu.memory_space<hbm>> -> memref<8x768xf32, #tpu.memory_space<hbm>>
        %dma_wait3A_662 = tpu.memref_slice %arg8[%dma_wait3A_655] : memref<4x!tpu.dma_semaphore, #tpu.memory_space<semaphore_mem>> -> memref<1x!tpu.dma_semaphore, #tpu.memory_space<semaphore_mem>>
        %dma_wait3A_663 = tpu.memref_squeeze %dma_wait3A_662 : memref<1x!tpu.dma_semaphore, #tpu.memory_space<semaphore_mem>> -> memref<!tpu.dma_semaphore, #tpu.memory_space<semaphore_mem>>
        %dma_wait3A_664 = arith.constant 0 : i32
        %dma_wait3A_665 = tpu.memref_slice %arg4[%add3A_601, %dma_wait3A_664] : memref<32768x768xf32, #tpu.memory_space<hbm>> -> memref<8x768xf32, #tpu.memory_space<hbm>>
        %dma_wait3A_666 = arith.constant 0 : i32
        %dma_wait3A_667 = arith.constant 0 : i32
        %dma_wait3A_668 = tpu.memref_slice %arg5[%dma_wait3A_653, %dma_wait3A_654, %dma_wait3A_666, %dma_wait3A_667] : memref<4x4x8x768xf32, #tpu.memory_space<vmem>> -> memref<1x1x8x768xf32, #tpu.memory_space<vmem>>
        %dma_wait3A_669 = tpu.memref_squeeze %dma_wait3A_668 : memref<1x1x8x768xf32, #tpu.memory_space<vmem>> -> memref<8x768xf32, #tpu.memory_space<vmem>>
        tpu.wait_dma2 semaphore(%dma_wait3A_663 : memref<!tpu.dma_semaphore, #tpu.memory_space<semaphore_mem>>) src(%dma_wait3A_669 : memref<8x768xf32, #tpu.memory_space<vmem>>) dst(%dma_wait3A_665 : memref<8x768xf32, #tpu.memory_space<hbm>>)
      } else {
      }
      %mul3A_248 = arith.constant 8 : i32
      %mul3A_249 = arith.muli %add3A_245, %mul3A_248 : i32
      %add3A_250 = arith.addi %mul3A_2, %mul3A_249 : i32
      %add3A_251 = arith.constant 0 : i32
      %add3A_252 = arith.addi %add3A_251, %add3A_250 : i32
      %add3A_253 = arith.constant 8192 : i32
      %add3A_254 = arith.addi %add3A_253, %add3A_250 : i32
      %add3A_255 = arith.constant 16384 : i32
      %add3A_256 = arith.addi %add3A_255, %add3A_250 : i32
      %add3A_257 = arith.constant 24576 : i32
      %add3A_258 = arith.addi %add3A_257, %add3A_250 : i32
      %dma_start3A = arith.constant 0 : i32
      %dma_start3A_259 = arith.constant 0 : i32
      %dma_start3A_260 = arith.constant 0 : i32
      %dma_start3A_261 = arith.constant 0 : i32
      %dma_start3A_262 = arith.constant 0 : i32
      %dma_start3A_263 = tpu.memref_slice %arg5[%dma_start3A, %dma_start3A_259, %dma_start3A_261, %dma_start3A_262] : memref<4x4x8x768xf32, #tpu.memory_space<vmem>> -> memref<1x1x8x768xf32, #tpu.memory_space<vmem>>
      %dma_start3A_264 = tpu.memref_squeeze %dma_start3A_263 : memref<1x1x8x768xf32, #tpu.memory_space<vmem>> -> memref<8x768xf32, #tpu.memory_space<vmem>>
      %dma_start3A_265 = arith.constant 0 : i32
      %dma_start3A_266 = tpu.memref_slice %arg4[%add3A_252, %dma_start3A_265] : memref<32768x768xf32, #tpu.memory_space<hbm>> -> memref<8x768xf32, #tpu.memory_space<hbm>>
      %dma_start3A_267 = tpu.memref_slice %arg8[%dma_start3A_260] : memref<4x!tpu.dma_semaphore, #tpu.memory_space<semaphore_mem>> -> memref<1x!tpu.dma_semaphore, #tpu.memory_space<semaphore_mem>>
      %dma_start3A_268 = tpu.memref_squeeze %dma_start3A_267 : memref<1x!tpu.dma_semaphore, #tpu.memory_space<semaphore_mem>> -> memref<!tpu.dma_semaphore, #tpu.memory_space<semaphore_mem>>
      %dma_start3A_269 = arith.constant 0 : i32
      %dma_start3A_270 = tpu.memref_slice %arg4[%add3A_252, %dma_start3A_269] : memref<32768x768xf32, #tpu.memory_space<hbm>> -> memref<8x768xf32, #tpu.memory_space<hbm>>
      %dma_start3A_271 = arith.constant 0 : i32
      %dma_start3A_272 = arith.constant 0 : i32
      %dma_start3A_273 = tpu.memref_slice %arg5[%dma_start3A, %dma_start3A_259, %dma_start3A_271, %dma_start3A_272] : memref<4x4x8x768xf32, #tpu.memory_space<vmem>> -> memref<1x1x8x768xf32, #tpu.memory_space<vmem>>
      %dma_start3A_274 = tpu.memref_squeeze %dma_start3A_273 : memref<1x1x8x768xf32, #tpu.memory_space<vmem>> -> memref<8x768xf32, #tpu.memory_space<vmem>>
      tpu.enqueue_dma source(%dma_start3A_274 : memref<8x768xf32, #tpu.memory_space<vmem>>) target(%dma_start3A_270 : memref<8x768xf32, #tpu.memory_space<hbm>>) target_semaphore(%dma_start3A_268 : memref<!tpu.dma_semaphore, #tpu.memory_space<semaphore_mem>>)
      %dma_start3A_275 = arith.constant 0 : i32
      %dma_start3A_276 = arith.constant 1 : i32
      %dma_start3A_277 = arith.constant 0 : i32
      %dma_start3A_278 = arith.constant 0 : i32
      %dma_start3A_279 = arith.constant 0 : i32
      %dma_start3A_280 = tpu.memref_slice %arg5[%dma_start3A_275, %dma_start3A_276, %dma_start3A_278, %dma_start3A_279] : memref<4x4x8x768xf32, #tpu.memory_space<vmem>> -> memref<1x1x8x768xf32, #tpu.memory_space<vmem>>
      %dma_start3A_281 = tpu.memref_squeeze %dma_start3A_280 : memref<1x1x8x768xf32, #tpu.memory_space<vmem>> -> memref<8x768xf32, #tpu.memory_space<vmem>>
      %dma_start3A_282 = arith.constant 0 : i32
      %dma_start3A_283 = tpu.memref_slice %arg4[%add3A_254, %dma_start3A_282] : memref<32768x768xf32, #tpu.memory_space<hbm>> -> memref<8x768xf32, #tpu.memory_space<hbm>>
      %dma_start3A_284 = tpu.memref_slice %arg8[%dma_start3A_277] : memref<4x!tpu.dma_semaphore, #tpu.memory_space<semaphore_mem>> -> memref<1x!tpu.dma_semaphore, #tpu.memory_space<semaphore_mem>>
      %dma_start3A_285 = tpu.memref_squeeze %dma_start3A_284 : memref<1x!tpu.dma_semaphore, #tpu.memory_space<semaphore_mem>> -> memref<!tpu.dma_semaphore, #tpu.memory_space<semaphore_mem>>
      %dma_start3A_286 = arith.constant 0 : i32
      %dma_start3A_287 = tpu.memref_slice %arg4[%add3A_254, %dma_start3A_286] : memref<32768x768xf32, #tpu.memory_space<hbm>> -> memref<8x768xf32, #tpu.memory_space<hbm>>
      %dma_start3A_288 = arith.constant 0 : i32
      %dma_start3A_289 = arith.constant 0 : i32
      %dma_start3A_290 = tpu.memref_slice %arg5[%dma_start3A_275, %dma_start3A_276, %dma_start3A_288, %dma_start3A_289] : memref<4x4x8x768xf32, #tpu.memory_space<vmem>> -> memref<1x1x8x768xf32, #tpu.memory_space<vmem>>
      %dma_start3A_291 = tpu.memref_squeeze %dma_start3A_290 : memref<1x1x8x768xf32, #tpu.memory_space<vmem>> -> memref<8x768xf32, #tpu.memory_space<vmem>>
      tpu.enqueue_dma source(%dma_start3A_291 : memref<8x768xf32, #tpu.memory_space<vmem>>) target(%dma_start3A_287 : memref<8x768xf32, #tpu.memory_space<hbm>>) target_semaphore(%dma_start3A_285 : memref<!tpu.dma_semaphore, #tpu.memory_space<semaphore_mem>>)
      %dma_start3A_292 = arith.constant 0 : i32
      %dma_start3A_293 = arith.constant 2 : i32
      %dma_start3A_294 = arith.constant 0 : i32
      %dma_start3A_295 = arith.constant 0 : i32
      %dma_start3A_296 = arith.constant 0 : i32
      %dma_start3A_297 = tpu.memref_slice %arg5[%dma_start3A_292, %dma_start3A_293, %dma_start3A_295, %dma_start3A_296] : memref<4x4x8x768xf32, #tpu.memory_space<vmem>> -> memref<1x1x8x768xf32, #tpu.memory_space<vmem>>
      %dma_start3A_298 = tpu.memref_squeeze %dma_start3A_297 : memref<1x1x8x768xf32, #tpu.memory_space<vmem>> -> memref<8x768xf32, #tpu.memory_space<vmem>>
      %dma_start3A_299 = arith.constant 0 : i32
      %dma_start3A_300 = tpu.memref_slice %arg4[%add3A_256, %dma_start3A_299] : memref<32768x768xf32, #tpu.memory_space<hbm>> -> memref<8x768xf32, #tpu.memory_space<hbm>>
      %dma_start3A_301 = tpu.memref_slice %arg8[%dma_start3A_294] : memref<4x!tpu.dma_semaphore, #tpu.memory_space<semaphore_mem>> -> memref<1x!tpu.dma_semaphore, #tpu.memory_space<semaphore_mem>>
      %dma_start3A_302 = tpu.memref_squeeze %dma_start3A_301 : memref<1x!tpu.dma_semaphore, #tpu.memory_space<semaphore_mem>> -> memref<!tpu.dma_semaphore, #tpu.memory_space<semaphore_mem>>
      %dma_start3A_303 = arith.constant 0 : i32
      %dma_start3A_304 = tpu.memref_slice %arg4[%add3A_256, %dma_start3A_303] : memref<32768x768xf32, #tpu.memory_space<hbm>> -> memref<8x768xf32, #tpu.memory_space<hbm>>
      %dma_start3A_305 = arith.constant 0 : i32
      %dma_start3A_306 = arith.constant 0 : i32
      %dma_start3A_307 = tpu.memref_slice %arg5[%dma_start3A_292, %dma_start3A_293, %dma_start3A_305, %dma_start3A_306] : memref<4x4x8x768xf32, #tpu.memory_space<vmem>> -> memref<1x1x8x768xf32, #tpu.memory_space<vmem>>
      %dma_start3A_308 = tpu.memref_squeeze %dma_start3A_307 : memref<1x1x8x768xf32, #tpu.memory_space<vmem>> -> memref<8x768xf32, #tpu.memory_space<vmem>>
      tpu.enqueue_dma source(%dma_start3A_308 : memref<8x768xf32, #tpu.memory_space<vmem>>) target(%dma_start3A_304 : memref<8x768xf32, #tpu.memory_space<hbm>>) target_semaphore(%dma_start3A_302 : memref<!tpu.dma_semaphore, #tpu.memory_space<semaphore_mem>>)
      %dma_start3A_309 = arith.constant 0 : i32
      %dma_start3A_310 = arith.constant 3 : i32
      %dma_start3A_311 = arith.constant 0 : i32
      %dma_start3A_312 = arith.constant 0 : i32
      %dma_start3A_313 = arith.constant 0 : i32
      %dma_start3A_314 = tpu.memref_slice %arg5[%dma_start3A_309, %dma_start3A_310, %dma_start3A_312, %dma_start3A_313] : memref<4x4x8x768xf32, #tpu.memory_space<vmem>> -> memref<1x1x8x768xf32, #tpu.memory_space<vmem>>
      %dma_start3A_315 = tpu.memref_squeeze %dma_start3A_314 : memref<1x1x8x768xf32, #tpu.memory_space<vmem>> -> memref<8x768xf32, #tpu.memory_space<vmem>>
      %dma_start3A_316 = arith.constant 0 : i32
      %dma_start3A_317 = tpu.memref_slice %arg4[%add3A_258, %dma_start3A_316] : memref<32768x768xf32, #tpu.memory_space<hbm>> -> memref<8x768xf32, #tpu.memory_space<hbm>>
      %dma_start3A_318 = tpu.memref_slice %arg8[%dma_start3A_311] : memref<4x!tpu.dma_semaphore, #tpu.memory_space<semaphore_mem>> -> memref<1x!tpu.dma_semaphore, #tpu.memory_space<semaphore_mem>>
      %dma_start3A_319 = tpu.memref_squeeze %dma_start3A_318 : memref<1x!tpu.dma_semaphore, #tpu.memory_space<semaphore_mem>> -> memref<!tpu.dma_semaphore, #tpu.memory_space<semaphore_mem>>
      %dma_start3A_320 = arith.constant 0 : i32
      %dma_start3A_321 = tpu.memref_slice %arg4[%add3A_258, %dma_start3A_320] : memref<32768x768xf32, #tpu.memory_space<hbm>> -> memref<8x768xf32, #tpu.memory_space<hbm>>
      %dma_start3A_322 = arith.constant 0 : i32
      %dma_start3A_323 = arith.constant 0 : i32
      %dma_start3A_324 = tpu.memref_slice %arg5[%dma_start3A_309, %dma_start3A_310, %dma_start3A_322, %dma_start3A_323] : memref<4x4x8x768xf32, #tpu.memory_space<vmem>> -> memref<1x1x8x768xf32, #tpu.memory_space<vmem>>
      %dma_start3A_325 = tpu.memref_squeeze %dma_start3A_324 : memref<1x1x8x768xf32, #tpu.memory_space<vmem>> -> memref<8x768xf32, #tpu.memory_space<vmem>>
      tpu.enqueue_dma source(%dma_start3A_325 : memref<8x768xf32, #tpu.memory_space<vmem>>) target(%dma_start3A_321 : memref<8x768xf32, #tpu.memory_space<hbm>>) target_semaphore(%dma_start3A_319 : memref<!tpu.dma_semaphore, #tpu.memory_space<semaphore_mem>>)
      %mul3A_326 = arith.constant 4 : i32
      %mul3A_327 = arith.muli %scan3A_241, %mul3A_326 : i32
      %add3A_328 = arith.constant 1 : i32
      %add3A_329 = arith.addi %mul3A_327, %add3A_328 : i32
      %ge3A_330 = arith.constant 3 : i32
      %ge3A_331 = arith.cmpi sge, %add3A_329, %ge3A_330 : i32
      %convert_element_type3A_332 = arith.extui %ge3A_331 : i1 to i32
      %cond3A_333 = arith.constant 0 : i32
      %cond3A_334 = arith.cmpi ne, %convert_element_type3A_332, %cond3A_333 : i32
      scf.if %cond3A_334 {
        %sub3A = arith.constant 3 : i32
        %sub3A_590 = arith.subi %add3A_329, %sub3A : i32
        %mul3A_591 = arith.constant 8 : i32
        %mul3A_592 = arith.muli %sub3A_590, %mul3A_591 : i32
        %add3A_593 = arith.addi %mul3A_2, %mul3A_592 : i32
        %add3A_594 = arith.constant 0 : i32
        %add3A_595 = arith.addi %add3A_594, %add3A_593 : i32
        %add3A_596 = arith.constant 8192 : i32
        %add3A_597 = arith.addi %add3A_596, %add3A_593 : i32
        %add3A_598 = arith.constant 16384 : i32
        %add3A_599 = arith.addi %add3A_598, %add3A_593 : i32
        %add3A_600 = arith.constant 24576 : i32
        %add3A_601 = arith.addi %add3A_600, %add3A_593 : i32
        %dma_wait3A_602 = arith.constant 2 : i32
        %dma_wait3A_603 = arith.constant 0 : i32
        %dma_wait3A_604 = arith.constant 2 : i32
        %dma_wait3A_605 = arith.constant 0 : i32
        %dma_wait3A_606 = arith.constant 0 : i32
        %dma_wait3A_607 = tpu.memref_slice %arg5[%dma_wait3A_602, %dma_wait3A_603, %dma_wait3A_605, %dma_wait3A_606] : memref<4x4x8x768xf32, #tpu.memory_space<vmem>> -> memref<1x1x8x768xf32, #tpu.memory_space<vmem>>
        %dma_wait3A_608 = tpu.memref_squeeze %dma_wait3A_607 : memref<1x1x8x768xf32, #tpu.memory_space<vmem>> -> memref<8x768xf32, #tpu.memory_space<vmem>>
        %dma_wait3A_609 = arith.constant 0 : i32
        %dma_wait3A_610 = tpu.memref_slice %arg4[%add3A_595, %dma_wait3A_609] : memref<32768x768xf32, #tpu.memory_space<hbm>> -> memref<8x768xf32, #tpu.memory_space<hbm>>
        %dma_wait3A_611 = tpu.memref_slice %arg8[%dma_wait3A_604] : memref<4x!tpu.dma_semaphore, #tpu.memory_space<semaphore_mem>> -> memref<1x!tpu.dma_semaphore, #tpu.memory_space<semaphore_mem>>
        %dma_wait3A_612 = tpu.memref_squeeze %dma_wait3A_611 : memref<1x!tpu.dma_semaphore, #tpu.memory_space<semaphore_mem>> -> memref<!tpu.dma_semaphore, #tpu.memory_space<semaphore_mem>>
        %dma_wait3A_613 = arith.constant 0 : i32
        %dma_wait3A_614 = tpu.memref_slice %arg4[%add3A_595, %dma_wait3A_613] : memref<32768x768xf32, #tpu.memory_space<hbm>> -> memref<8x768xf32, #tpu.memory_space<hbm>>
        %dma_wait3A_615 = arith.constant 0 : i32
        %dma_wait3A_616 = arith.constant 0 : i32
        %dma_wait3A_617 = tpu.memref_slice %arg5[%dma_wait3A_602, %dma_wait3A_603, %dma_wait3A_615, %dma_wait3A_616] : memref<4x4x8x768xf32, #tpu.memory_space<vmem>> -> memref<1x1x8x768xf32, #tpu.memory_space<vmem>>
        %dma_wait3A_618 = tpu.memref_squeeze %dma_wait3A_617 : memref<1x1x8x768xf32, #tpu.memory_space<vmem>> -> memref<8x768xf32, #tpu.memory_space<vmem>>
        tpu.wait_dma2 semaphore(%dma_wait3A_612 : memref<!tpu.dma_semaphore, #tpu.memory_space<semaphore_mem>>) src(%dma_wait3A_618 : memref<8x768xf32, #tpu.memory_space<vmem>>) dst(%dma_wait3A_614 : memref<8x768xf32, #tpu.memory_space<hbm>>)
        %dma_wait3A_619 = arith.constant 2 : i32
        %dma_wait3A_620 = arith.constant 1 : i32
        %dma_wait3A_621 = arith.constant 2 : i32
        %dma_wait3A_622 = arith.constant 0 : i32
        %dma_wait3A_623 = arith.constant 0 : i32
        %dma_wait3A_624 = tpu.memref_slice %arg5[%dma_wait3A_619, %dma_wait3A_620, %dma_wait3A_622, %dma_wait3A_623] : memref<4x4x8x768xf32, #tpu.memory_space<vmem>> -> memref<1x1x8x768xf32, #tpu.memory_space<vmem>>
        %dma_wait3A_625 = tpu.memref_squeeze %dma_wait3A_624 : memref<1x1x8x768xf32, #tpu.memory_space<vmem>> -> memref<8x768xf32, #tpu.memory_space<vmem>>
        %dma_wait3A_626 = arith.constant 0 : i32
        %dma_wait3A_627 = tpu.memref_slice %arg4[%add3A_597, %dma_wait3A_626] : memref<32768x768xf32, #tpu.memory_space<hbm>> -> memref<8x768xf32, #tpu.memory_space<hbm>>
        %dma_wait3A_628 = tpu.memref_slice %arg8[%dma_wait3A_621] : memref<4x!tpu.dma_semaphore, #tpu.memory_space<semaphore_mem>> -> memref<1x!tpu.dma_semaphore, #tpu.memory_space<semaphore_mem>>
        %dma_wait3A_629 = tpu.memref_squeeze %dma_wait3A_628 : memref<1x!tpu.dma_semaphore, #tpu.memory_space<semaphore_mem>> -> memref<!tpu.dma_semaphore, #tpu.memory_space<semaphore_mem>>
        %dma_wait3A_630 = arith.constant 0 : i32
        %dma_wait3A_631 = tpu.memref_slice %arg4[%add3A_597, %dma_wait3A_630] : memref<32768x768xf32, #tpu.memory_space<hbm>> -> memref<8x768xf32, #tpu.memory_space<hbm>>
        %dma_wait3A_632 = arith.constant 0 : i32
        %dma_wait3A_633 = arith.constant 0 : i32
        %dma_wait3A_634 = tpu.memref_slice %arg5[%dma_wait3A_619, %dma_wait3A_620, %dma_wait3A_632, %dma_wait3A_633] : memref<4x4x8x768xf32, #tpu.memory_space<vmem>> -> memref<1x1x8x768xf32, #tpu.memory_space<vmem>>
        %dma_wait3A_635 = tpu.memref_squeeze %dma_wait3A_634 : memref<1x1x8x768xf32, #tpu.memory_space<vmem>> -> memref<8x768xf32, #tpu.memory_space<vmem>>
        tpu.wait_dma2 semaphore(%dma_wait3A_629 : memref<!tpu.dma_semaphore, #tpu.memory_space<semaphore_mem>>) src(%dma_wait3A_635 : memref<8x768xf32, #tpu.memory_space<vmem>>) dst(%dma_wait3A_631 : memref<8x768xf32, #tpu.memory_space<hbm>>)
        %dma_wait3A_636 = arith.constant 2 : i32
        %dma_wait3A_637 = arith.constant 2 : i32
        %dma_wait3A_638 = arith.constant 2 : i32
        %dma_wait3A_639 = arith.constant 0 : i32
        %dma_wait3A_640 = arith.constant 0 : i32
        %dma_wait3A_641 = tpu.memref_slice %arg5[%dma_wait3A_636, %dma_wait3A_637, %dma_wait3A_639, %dma_wait3A_640] : memref<4x4x8x768xf32, #tpu.memory_space<vmem>> -> memref<1x1x8x768xf32, #tpu.memory_space<vmem>>
        %dma_wait3A_642 = tpu.memref_squeeze %dma_wait3A_641 : memref<1x1x8x768xf32, #tpu.memory_space<vmem>> -> memref<8x768xf32, #tpu.memory_space<vmem>>
        %dma_wait3A_643 = arith.constant 0 : i32
        %dma_wait3A_644 = tpu.memref_slice %arg4[%add3A_599, %dma_wait3A_643] : memref<32768x768xf32, #tpu.memory_space<hbm>> -> memref<8x768xf32, #tpu.memory_space<hbm>>
        %dma_wait3A_645 = tpu.memref_slice %arg8[%dma_wait3A_638] : memref<4x!tpu.dma_semaphore, #tpu.memory_space<semaphore_mem>> -> memref<1x!tpu.dma_semaphore, #tpu.memory_space<semaphore_mem>>
        %dma_wait3A_646 = tpu.memref_squeeze %dma_wait3A_645 : memref<1x!tpu.dma_semaphore, #tpu.memory_space<semaphore_mem>> -> memref<!tpu.dma_semaphore, #tpu.memory_space<semaphore_mem>>
        %dma_wait3A_647 = arith.constant 0 : i32
        %dma_wait3A_648 = tpu.memref_slice %arg4[%add3A_599, %dma_wait3A_647] : memref<32768x768xf32, #tpu.memory_space<hbm>> -> memref<8x768xf32, #tpu.memory_space<hbm>>
        %dma_wait3A_649 = arith.constant 0 : i32
        %dma_wait3A_650 = arith.constant 0 : i32
        %dma_wait3A_651 = tpu.memref_slice %arg5[%dma_wait3A_636, %dma_wait3A_637, %dma_wait3A_649, %dma_wait3A_650] : memref<4x4x8x768xf32, #tpu.memory_space<vmem>> -> memref<1x1x8x768xf32, #tpu.memory_space<vmem>>
        %dma_wait3A_652 = tpu.memref_squeeze %dma_wait3A_651 : memref<1x1x8x768xf32, #tpu.memory_space<vmem>> -> memref<8x768xf32, #tpu.memory_space<vmem>>
        tpu.wait_dma2 semaphore(%dma_wait3A_646 : memref<!tpu.dma_semaphore, #tpu.memory_space<semaphore_mem>>) src(%dma_wait3A_652 : memref<8x768xf32, #tpu.memory_space<vmem>>) dst(%dma_wait3A_648 : memref<8x768xf32, #tpu.memory_space<hbm>>)
        %dma_wait3A_653 = arith.constant 2 : i32
        %dma_wait3A_654 = arith.constant 3 : i32
        %dma_wait3A_655 = arith.constant 2 : i32
        %dma_wait3A_656 = arith.constant 0 : i32
        %dma_wait3A_657 = arith.constant 0 : i32
        %dma_wait3A_658 = tpu.memref_slice %arg5[%dma_wait3A_653, %dma_wait3A_654, %dma_wait3A_656, %dma_wait3A_657] : memref<4x4x8x768xf32, #tpu.memory_space<vmem>> -> memref<1x1x8x768xf32, #tpu.memory_space<vmem>>
        %dma_wait3A_659 = tpu.memref_squeeze %dma_wait3A_658 : memref<1x1x8x768xf32, #tpu.memory_space<vmem>> -> memref<8x768xf32, #tpu.memory_space<vmem>>
        %dma_wait3A_660 = arith.constant 0 : i32
        %dma_wait3A_661 = tpu.memref_slice %arg4[%add3A_601, %dma_wait3A_660] : memref<32768x768xf32, #tpu.memory_space<hbm>> -> memref<8x768xf32, #tpu.memory_space<hbm>>
        %dma_wait3A_662 = tpu.memref_slice %arg8[%dma_wait3A_655] : memref<4x!tpu.dma_semaphore, #tpu.memory_space<semaphore_mem>> -> memref<1x!tpu.dma_semaphore, #tpu.memory_space<semaphore_mem>>
        %dma_wait3A_663 = tpu.memref_squeeze %dma_wait3A_662 : memref<1x!tpu.dma_semaphore, #tpu.memory_space<semaphore_mem>> -> memref<!tpu.dma_semaphore, #tpu.memory_space<semaphore_mem>>
        %dma_wait3A_664 = arith.constant 0 : i32
        %dma_wait3A_665 = tpu.memref_slice %arg4[%add3A_601, %dma_wait3A_664] : memref<32768x768xf32, #tpu.memory_space<hbm>> -> memref<8x768xf32, #tpu.memory_space<hbm>>
        %dma_wait3A_666 = arith.constant 0 : i32
        %dma_wait3A_667 = arith.constant 0 : i32
        %dma_wait3A_668 = tpu.memref_slice %arg5[%dma_wait3A_653, %dma_wait3A_654, %dma_wait3A_666, %dma_wait3A_667] : memref<4x4x8x768xf32, #tpu.memory_space<vmem>> -> memref<1x1x8x768xf32, #tpu.memory_space<vmem>>
        %dma_wait3A_669 = tpu.memref_squeeze %dma_wait3A_668 : memref<1x1x8x768xf32, #tpu.memory_space<vmem>> -> memref<8x768xf32, #tpu.memory_space<vmem>>
        tpu.wait_dma2 semaphore(%dma_wait3A_663 : memref<!tpu.dma_semaphore, #tpu.memory_space<semaphore_mem>>) src(%dma_wait3A_669 : memref<8x768xf32, #tpu.memory_space<vmem>>) dst(%dma_wait3A_665 : memref<8x768xf32, #tpu.memory_space<hbm>>)
      } else {
      }
      %mul3A_335 = arith.constant 8 : i32
      %mul3A_336 = arith.muli %add3A_329, %mul3A_335 : i32
      %add3A_337 = arith.addi %mul3A_2, %mul3A_336 : i32
      %add3A_338 = arith.constant 0 : i32
      %add3A_339 = arith.addi %add3A_338, %add3A_337 : i32
      %add3A_340 = arith.constant 8192 : i32
      %add3A_341 = arith.addi %add3A_340, %add3A_337 : i32
      %add3A_342 = arith.constant 16384 : i32
      %add3A_343 = arith.addi %add3A_342, %add3A_337 : i32
      %add3A_344 = arith.constant 24576 : i32
      %add3A_345 = arith.addi %add3A_344, %add3A_337 : i32
      %dma_start3A_346 = arith.constant 1 : i32
      %dma_start3A_347 = arith.constant 0 : i32
      %dma_start3A_348 = arith.constant 1 : i32
      %dma_start3A_349 = arith.constant 0 : i32
      %dma_start3A_350 = arith.constant 0 : i32
      %dma_start3A_351 = tpu.memref_slice %arg5[%dma_start3A_346, %dma_start3A_347, %dma_start3A_349, %dma_start3A_350] : memref<4x4x8x768xf32, #tpu.memory_space<vmem>> -> memref<1x1x8x768xf32, #tpu.memory_space<vmem>>
      %dma_start3A_352 = tpu.memref_squeeze %dma_start3A_351 : memref<1x1x8x768xf32, #tpu.memory_space<vmem>> -> memref<8x768xf32, #tpu.memory_space<vmem>>
      %dma_start3A_353 = arith.constant 0 : i32
      %dma_start3A_354 = tpu.memref_slice %arg4[%add3A_339, %dma_start3A_353] : memref<32768x768xf32, #tpu.memory_space<hbm>> -> memref<8x768xf32, #tpu.memory_space<hbm>>
      %dma_start3A_355 = tpu.memref_slice %arg8[%dma_start3A_348] : memref<4x!tpu.dma_semaphore, #tpu.memory_space<semaphore_mem>> -> memref<1x!tpu.dma_semaphore, #tpu.memory_space<semaphore_mem>>
      %dma_start3A_356 = tpu.memref_squeeze %dma_start3A_355 : memref<1x!tpu.dma_semaphore, #tpu.memory_space<semaphore_mem>> -> memref<!tpu.dma_semaphore, #tpu.memory_space<semaphore_mem>>
      %dma_start3A_357 = arith.constant 0 : i32
      %dma_start3A_358 = tpu.memref_slice %arg4[%add3A_339, %dma_start3A_357] : memref<32768x768xf32, #tpu.memory_space<hbm>> -> memref<8x768xf32, #tpu.memory_space<hbm>>
      %dma_start3A_359 = arith.constant 0 : i32
      %dma_start3A_360 = arith.constant 0 : i32
      %dma_start3A_361 = tpu.memref_slice %arg5[%dma_start3A_346, %dma_start3A_347, %dma_start3A_359, %dma_start3A_360] : memref<4x4x8x768xf32, #tpu.memory_space<vmem>> -> memref<1x1x8x768xf32, #tpu.memory_space<vmem>>
      %dma_start3A_362 = tpu.memref_squeeze %dma_start3A_361 : memref<1x1x8x768xf32, #tpu.memory_space<vmem>> -> memref<8x768xf32, #tpu.memory_space<vmem>>
      tpu.enqueue_dma source(%dma_start3A_362 : memref<8x768xf32, #tpu.memory_space<vmem>>) target(%dma_start3A_358 : memref<8x768xf32, #tpu.memory_space<hbm>>) target_semaphore(%dma_start3A_356 : memref<!tpu.dma_semaphore, #tpu.memory_space<semaphore_mem>>)
      %dma_start3A_363 = arith.constant 1 : i32
      %dma_start3A_364 = arith.constant 1 : i32
      %dma_start3A_365 = arith.constant 1 : i32
      %dma_start3A_366 = arith.constant 0 : i32
      %dma_start3A_367 = arith.constant 0 : i32
      %dma_start3A_368 = tpu.memref_slice %arg5[%dma_start3A_363, %dma_start3A_364, %dma_start3A_366, %dma_start3A_367] : memref<4x4x8x768xf32, #tpu.memory_space<vmem>> -> memref<1x1x8x768xf32, #tpu.memory_space<vmem>>
      %dma_start3A_369 = tpu.memref_squeeze %dma_start3A_368 : memref<1x1x8x768xf32, #tpu.memory_space<vmem>> -> memref<8x768xf32, #tpu.memory_space<vmem>>
      %dma_start3A_370 = arith.constant 0 : i32
      %dma_start3A_371 = tpu.memref_slice %arg4[%add3A_341, %dma_start3A_370] : memref<32768x768xf32, #tpu.memory_space<hbm>> -> memref<8x768xf32, #tpu.memory_space<hbm>>
      %dma_start3A_372 = tpu.memref_slice %arg8[%dma_start3A_365] : memref<4x!tpu.dma_semaphore, #tpu.memory_space<semaphore_mem>> -> memref<1x!tpu.dma_semaphore, #tpu.memory_space<semaphore_mem>>
      %dma_start3A_373 = tpu.memref_squeeze %dma_start3A_372 : memref<1x!tpu.dma_semaphore, #tpu.memory_space<semaphore_mem>> -> memref<!tpu.dma_semaphore, #tpu.memory_space<semaphore_mem>>
      %dma_start3A_374 = arith.constant 0 : i32
      %dma_start3A_375 = tpu.memref_slice %arg4[%add3A_341, %dma_start3A_374] : memref<32768x768xf32, #tpu.memory_space<hbm>> -> memref<8x768xf32, #tpu.memory_space<hbm>>
      %dma_start3A_376 = arith.constant 0 : i32
      %dma_start3A_377 = arith.constant 0 : i32
      %dma_start3A_378 = tpu.memref_slice %arg5[%dma_start3A_363, %dma_start3A_364, %dma_start3A_376, %dma_start3A_377] : memref<4x4x8x768xf32, #tpu.memory_space<vmem>> -> memref<1x1x8x768xf32, #tpu.memory_space<vmem>>
      %dma_start3A_379 = tpu.memref_squeeze %dma_start3A_378 : memref<1x1x8x768xf32, #tpu.memory_space<vmem>> -> memref<8x768xf32, #tpu.memory_space<vmem>>
      tpu.enqueue_dma source(%dma_start3A_379 : memref<8x768xf32, #tpu.memory_space<vmem>>) target(%dma_start3A_375 : memref<8x768xf32, #tpu.memory_space<hbm>>) target_semaphore(%dma_start3A_373 : memref<!tpu.dma_semaphore, #tpu.memory_space<semaphore_mem>>)
      %dma_start3A_380 = arith.constant 1 : i32
      %dma_start3A_381 = arith.constant 2 : i32
      %dma_start3A_382 = arith.constant 1 : i32
      %dma_start3A_383 = arith.constant 0 : i32
      %dma_start3A_384 = arith.constant 0 : i32
      %dma_start3A_385 = tpu.memref_slice %arg5[%dma_start3A_380, %dma_start3A_381, %dma_start3A_383, %dma_start3A_384] : memref<4x4x8x768xf32, #tpu.memory_space<vmem>> -> memref<1x1x8x768xf32, #tpu.memory_space<vmem>>
      %dma_start3A_386 = tpu.memref_squeeze %dma_start3A_385 : memref<1x1x8x768xf32, #tpu.memory_space<vmem>> -> memref<8x768xf32, #tpu.memory_space<vmem>>
      %dma_start3A_387 = arith.constant 0 : i32
      %dma_start3A_388 = tpu.memref_slice %arg4[%add3A_343, %dma_start3A_387] : memref<32768x768xf32, #tpu.memory_space<hbm>> -> memref<8x768xf32, #tpu.memory_space<hbm>>
      %dma_start3A_389 = tpu.memref_slice %arg8[%dma_start3A_382] : memref<4x!tpu.dma_semaphore, #tpu.memory_space<semaphore_mem>> -> memref<1x!tpu.dma_semaphore, #tpu.memory_space<semaphore_mem>>
      %dma_start3A_390 = tpu.memref_squeeze %dma_start3A_389 : memref<1x!tpu.dma_semaphore, #tpu.memory_space<semaphore_mem>> -> memref<!tpu.dma_semaphore, #tpu.memory_space<semaphore_mem>>
      %dma_start3A_391 = arith.constant 0 : i32
      %dma_start3A_392 = tpu.memref_slice %arg4[%add3A_343, %dma_start3A_391] : memref<32768x768xf32, #tpu.memory_space<hbm>> -> memref<8x768xf32, #tpu.memory_space<hbm>>
      %dma_start3A_393 = arith.constant 0 : i32
      %dma_start3A_394 = arith.constant 0 : i32
      %dma_start3A_395 = tpu.memref_slice %arg5[%dma_start3A_380, %dma_start3A_381, %dma_start3A_393, %dma_start3A_394] : memref<4x4x8x768xf32, #tpu.memory_space<vmem>> -> memref<1x1x8x768xf32, #tpu.memory_space<vmem>>
      %dma_start3A_396 = tpu.memref_squeeze %dma_start3A_395 : memref<1x1x8x768xf32, #tpu.memory_space<vmem>> -> memref<8x768xf32, #tpu.memory_space<vmem>>
      tpu.enqueue_dma source(%dma_start3A_396 : memref<8x768xf32, #tpu.memory_space<vmem>>) target(%dma_start3A_392 : memref<8x768xf32, #tpu.memory_space<hbm>>) target_semaphore(%dma_start3A_390 : memref<!tpu.dma_semaphore, #tpu.memory_space<semaphore_mem>>)
      %dma_start3A_397 = arith.constant 1 : i32
      %dma_start3A_398 = arith.constant 3 : i32
      %dma_start3A_399 = arith.constant 1 : i32
      %dma_start3A_400 = arith.constant 0 : i32
      %dma_start3A_401 = arith.constant 0 : i32
      %dma_start3A_402 = tpu.memref_slice %arg5[%dma_start3A_397, %dma_start3A_398, %dma_start3A_400, %dma_start3A_401] : memref<4x4x8x768xf32, #tpu.memory_space<vmem>> -> memref<1x1x8x768xf32, #tpu.memory_space<vmem>>
      %dma_start3A_403 = tpu.memref_squeeze %dma_start3A_402 : memref<1x1x8x768xf32, #tpu.memory_space<vmem>> -> memref<8x768xf32, #tpu.memory_space<vmem>>
      %dma_start3A_404 = arith.constant 0 : i32
      %dma_start3A_405 = tpu.memref_slice %arg4[%add3A_345, %dma_start3A_404] : memref<32768x768xf32, #tpu.memory_space<hbm>> -> memref<8x768xf32, #tpu.memory_space<hbm>>
      %dma_start3A_406 = tpu.memref_slice %arg8[%dma_start3A_399] : memref<4x!tpu.dma_semaphore, #tpu.memory_space<semaphore_mem>> -> memref<1x!tpu.dma_semaphore, #tpu.memory_space<semaphore_mem>>
      %dma_start3A_407 = tpu.memref_squeeze %dma_start3A_406 : memref<1x!tpu.dma_semaphore, #tpu.memory_space<semaphore_mem>> -> memref<!tpu.dma_semaphore, #tpu.memory_space<semaphore_mem>>
      %dma_start3A_408 = arith.constant 0 : i32
      %dma_start3A_409 = tpu.memref_slice %arg4[%add3A_345, %dma_start3A_408] : memref<32768x768xf32, #tpu.memory_space<hbm>> -> memref<8x768xf32, #tpu.memory_space<hbm>>
      %dma_start3A_410 = arith.constant 0 : i32
      %dma_start3A_411 = arith.constant 0 : i32
      %dma_start3A_412 = tpu.memref_slice %arg5[%dma_start3A_397, %dma_start3A_398, %dma_start3A_410, %dma_start3A_411] : memref<4x4x8x768xf32, #tpu.memory_space<vmem>> -> memref<1x1x8x768xf32, #tpu.memory_space<vmem>>
      %dma_start3A_413 = tpu.memref_squeeze %dma_start3A_412 : memref<1x1x8x768xf32, #tpu.memory_space<vmem>> -> memref<8x768xf32, #tpu.memory_space<vmem>>
      tpu.enqueue_dma source(%dma_start3A_413 : memref<8x768xf32, #tpu.memory_space<vmem>>) target(%dma_start3A_409 : memref<8x768xf32, #tpu.memory_space<hbm>>) target_semaphore(%dma_start3A_407 : memref<!tpu.dma_semaphore, #tpu.memory_space<semaphore_mem>>)
      %mul3A_414 = arith.constant 4 : i32
      %mul3A_415 = arith.muli %scan3A_241, %mul3A_414 : i32
      %add3A_416 = arith.constant 2 : i32
      %add3A_417 = arith.addi %mul3A_415, %add3A_416 : i32
      %ge3A_418 = arith.constant 3 : i32
      %ge3A_419 = arith.cmpi sge, %add3A_417, %ge3A_418 : i32
      %convert_element_type3A_420 = arith.extui %ge3A_419 : i1 to i32
      %cond3A_421 = arith.constant 0 : i32
      %cond3A_422 = arith.cmpi ne, %convert_element_type3A_420, %cond3A_421 : i32
      scf.if %cond3A_422 {
        %sub3A = arith.constant 3 : i32
        %sub3A_590 = arith.subi %add3A_417, %sub3A : i32
        %mul3A_591 = arith.constant 8 : i32
        %mul3A_592 = arith.muli %sub3A_590, %mul3A_591 : i32
        %add3A_593 = arith.addi %mul3A_2, %mul3A_592 : i32
        %add3A_594 = arith.constant 0 : i32
        %add3A_595 = arith.addi %add3A_594, %add3A_593 : i32
        %add3A_596 = arith.constant 8192 : i32
        %add3A_597 = arith.addi %add3A_596, %add3A_593 : i32
        %add3A_598 = arith.constant 16384 : i32
        %add3A_599 = arith.addi %add3A_598, %add3A_593 : i32
        %add3A_600 = arith.constant 24576 : i32
        %add3A_601 = arith.addi %add3A_600, %add3A_593 : i32
        %dma_wait3A_602 = arith.constant 3 : i32
        %dma_wait3A_603 = arith.constant 0 : i32
        %dma_wait3A_604 = arith.constant 3 : i32
        %dma_wait3A_605 = arith.constant 0 : i32
        %dma_wait3A_606 = arith.constant 0 : i32
        %dma_wait3A_607 = tpu.memref_slice %arg5[%dma_wait3A_602, %dma_wait3A_603, %dma_wait3A_605, %dma_wait3A_606] : memref<4x4x8x768xf32, #tpu.memory_space<vmem>> -> memref<1x1x8x768xf32, #tpu.memory_space<vmem>>
        %dma_wait3A_608 = tpu.memref_squeeze %dma_wait3A_607 : memref<1x1x8x768xf32, #tpu.memory_space<vmem>> -> memref<8x768xf32, #tpu.memory_space<vmem>>
        %dma_wait3A_609 = arith.constant 0 : i32
        %dma_wait3A_610 = tpu.memref_slice %arg4[%add3A_595, %dma_wait3A_609] : memref<32768x768xf32, #tpu.memory_space<hbm>> -> memref<8x768xf32, #tpu.memory_space<hbm>>
        %dma_wait3A_611 = tpu.memref_slice %arg8[%dma_wait3A_604] : memref<4x!tpu.dma_semaphore, #tpu.memory_space<semaphore_mem>> -> memref<1x!tpu.dma_semaphore, #tpu.memory_space<semaphore_mem>>
        %dma_wait3A_612 = tpu.memref_squeeze %dma_wait3A_611 : memref<1x!tpu.dma_semaphore, #tpu.memory_space<semaphore_mem>> -> memref<!tpu.dma_semaphore, #tpu.memory_space<semaphore_mem>>
        %dma_wait3A_613 = arith.constant 0 : i32
        %dma_wait3A_614 = tpu.memref_slice %arg4[%add3A_595, %dma_wait3A_613] : memref<32768x768xf32, #tpu.memory_space<hbm>> -> memref<8x768xf32, #tpu.memory_space<hbm>>
        %dma_wait3A_615 = arith.constant 0 : i32
        %dma_wait3A_616 = arith.constant 0 : i32
        %dma_wait3A_617 = tpu.memref_slice %arg5[%dma_wait3A_602, %dma_wait3A_603, %dma_wait3A_615, %dma_wait3A_616] : memref<4x4x8x768xf32, #tpu.memory_space<vmem>> -> memref<1x1x8x768xf32, #tpu.memory_space<vmem>>
        %dma_wait3A_618 = tpu.memref_squeeze %dma_wait3A_617 : memref<1x1x8x768xf32, #tpu.memory_space<vmem>> -> memref<8x768xf32, #tpu.memory_space<vmem>>
        tpu.wait_dma2 semaphore(%dma_wait3A_612 : memref<!tpu.dma_semaphore, #tpu.memory_space<semaphore_mem>>) src(%dma_wait3A_618 : memref<8x768xf32, #tpu.memory_space<vmem>>) dst(%dma_wait3A_614 : memref<8x768xf32, #tpu.memory_space<hbm>>)
        %dma_wait3A_619 = arith.constant 3 : i32
        %dma_wait3A_620 = arith.constant 1 : i32
        %dma_wait3A_621 = arith.constant 3 : i32
        %dma_wait3A_622 = arith.constant 0 : i32
        %dma_wait3A_623 = arith.constant 0 : i32
        %dma_wait3A_624 = tpu.memref_slice %arg5[%dma_wait3A_619, %dma_wait3A_620, %dma_wait3A_622, %dma_wait3A_623] : memref<4x4x8x768xf32, #tpu.memory_space<vmem>> -> memref<1x1x8x768xf32, #tpu.memory_space<vmem>>
        %dma_wait3A_625 = tpu.memref_squeeze %dma_wait3A_624 : memref<1x1x8x768xf32, #tpu.memory_space<vmem>> -> memref<8x768xf32, #tpu.memory_space<vmem>>
        %dma_wait3A_626 = arith.constant 0 : i32
        %dma_wait3A_627 = tpu.memref_slice %arg4[%add3A_597, %dma_wait3A_626] : memref<32768x768xf32, #tpu.memory_space<hbm>> -> memref<8x768xf32, #tpu.memory_space<hbm>>
        %dma_wait3A_628 = tpu.memref_slice %arg8[%dma_wait3A_621] : memref<4x!tpu.dma_semaphore, #tpu.memory_space<semaphore_mem>> -> memref<1x!tpu.dma_semaphore, #tpu.memory_space<semaphore_mem>>
        %dma_wait3A_629 = tpu.memref_squeeze %dma_wait3A_628 : memref<1x!tpu.dma_semaphore, #tpu.memory_space<semaphore_mem>> -> memref<!tpu.dma_semaphore, #tpu.memory_space<semaphore_mem>>
        %dma_wait3A_630 = arith.constant 0 : i32
        %dma_wait3A_631 = tpu.memref_slice %arg4[%add3A_597, %dma_wait3A_630] : memref<32768x768xf32, #tpu.memory_space<hbm>> -> memref<8x768xf32, #tpu.memory_space<hbm>>
        %dma_wait3A_632 = arith.constant 0 : i32
        %dma_wait3A_633 = arith.constant 0 : i32
        %dma_wait3A_634 = tpu.memref_slice %arg5[%dma_wait3A_619, %dma_wait3A_620, %dma_wait3A_632, %dma_wait3A_633] : memref<4x4x8x768xf32, #tpu.memory_space<vmem>> -> memref<1x1x8x768xf32, #tpu.memory_space<vmem>>
        %dma_wait3A_635 = tpu.memref_squeeze %dma_wait3A_634 : memref<1x1x8x768xf32, #tpu.memory_space<vmem>> -> memref<8x768xf32, #tpu.memory_space<vmem>>
        tpu.wait_dma2 semaphore(%dma_wait3A_629 : memref<!tpu.dma_semaphore, #tpu.memory_space<semaphore_mem>>) src(%dma_wait3A_635 : memref<8x768xf32, #tpu.memory_space<vmem>>) dst(%dma_wait3A_631 : memref<8x768xf32, #tpu.memory_space<hbm>>)
        %dma_wait3A_636 = arith.constant 3 : i32
        %dma_wait3A_637 = arith.constant 2 : i32
        %dma_wait3A_638 = arith.constant 3 : i32
        %dma_wait3A_639 = arith.constant 0 : i32
        %dma_wait3A_640 = arith.constant 0 : i32
        %dma_wait3A_641 = tpu.memref_slice %arg5[%dma_wait3A_636, %dma_wait3A_637, %dma_wait3A_639, %dma_wait3A_640] : memref<4x4x8x768xf32, #tpu.memory_space<vmem>> -> memref<1x1x8x768xf32, #tpu.memory_space<vmem>>
        %dma_wait3A_642 = tpu.memref_squeeze %dma_wait3A_641 : memref<1x1x8x768xf32, #tpu.memory_space<vmem>> -> memref<8x768xf32, #tpu.memory_space<vmem>>
        %dma_wait3A_643 = arith.constant 0 : i32
        %dma_wait3A_644 = tpu.memref_slice %arg4[%add3A_599, %dma_wait3A_643] : memref<32768x768xf32, #tpu.memory_space<hbm>> -> memref<8x768xf32, #tpu.memory_space<hbm>>
        %dma_wait3A_645 = tpu.memref_slice %arg8[%dma_wait3A_638] : memref<4x!tpu.dma_semaphore, #tpu.memory_space<semaphore_mem>> -> memref<1x!tpu.dma_semaphore, #tpu.memory_space<semaphore_mem>>
        %dma_wait3A_646 = tpu.memref_squeeze %dma_wait3A_645 : memref<1x!tpu.dma_semaphore, #tpu.memory_space<semaphore_mem>> -> memref<!tpu.dma_semaphore, #tpu.memory_space<semaphore_mem>>
        %dma_wait3A_647 = arith.constant 0 : i32
        %dma_wait3A_648 = tpu.memref_slice %arg4[%add3A_599, %dma_wait3A_647] : memref<32768x768xf32, #tpu.memory_space<hbm>> -> memref<8x768xf32, #tpu.memory_space<hbm>>
        %dma_wait3A_649 = arith.constant 0 : i32
        %dma_wait3A_650 = arith.constant 0 : i32
        %dma_wait3A_651 = tpu.memref_slice %arg5[%dma_wait3A_636, %dma_wait3A_637, %dma_wait3A_649, %dma_wait3A_650] : memref<4x4x8x768xf32, #tpu.memory_space<vmem>> -> memref<1x1x8x768xf32, #tpu.memory_space<vmem>>
        %dma_wait3A_652 = tpu.memref_squeeze %dma_wait3A_651 : memref<1x1x8x768xf32, #tpu.memory_space<vmem>> -> memref<8x768xf32, #tpu.memory_space<vmem>>
        tpu.wait_dma2 semaphore(%dma_wait3A_646 : memref<!tpu.dma_semaphore, #tpu.memory_space<semaphore_mem>>) src(%dma_wait3A_652 : memref<8x768xf32, #tpu.memory_space<vmem>>) dst(%dma_wait3A_648 : memref<8x768xf32, #tpu.memory_space<hbm>>)
        %dma_wait3A_653 = arith.constant 3 : i32
        %dma_wait3A_654 = arith.constant 3 : i32
        %dma_wait3A_655 = arith.constant 3 : i32
        %dma_wait3A_656 = arith.constant 0 : i32
        %dma_wait3A_657 = arith.constant 0 : i32
        %dma_wait3A_658 = tpu.memref_slice %arg5[%dma_wait3A_653, %dma_wait3A_654, %dma_wait3A_656, %dma_wait3A_657] : memref<4x4x8x768xf32, #tpu.memory_space<vmem>> -> memref<1x1x8x768xf32, #tpu.memory_space<vmem>>
        %dma_wait3A_659 = tpu.memref_squeeze %dma_wait3A_658 : memref<1x1x8x768xf32, #tpu.memory_space<vmem>> -> memref<8x768xf32, #tpu.memory_space<vmem>>
        %dma_wait3A_660 = arith.constant 0 : i32
        %dma_wait3A_661 = tpu.memref_slice %arg4[%add3A_601, %dma_wait3A_660] : memref<32768x768xf32, #tpu.memory_space<hbm>> -> memref<8x768xf32, #tpu.memory_space<hbm>>
        %dma_wait3A_662 = tpu.memref_slice %arg8[%dma_wait3A_655] : memref<4x!tpu.dma_semaphore, #tpu.memory_space<semaphore_mem>> -> memref<1x!tpu.dma_semaphore, #tpu.memory_space<semaphore_mem>>
        %dma_wait3A_663 = tpu.memref_squeeze %dma_wait3A_662 : memref<1x!tpu.dma_semaphore, #tpu.memory_space<semaphore_mem>> -> memref<!tpu.dma_semaphore, #tpu.memory_space<semaphore_mem>>
        %dma_wait3A_664 = arith.constant 0 : i32
        %dma_wait3A_665 = tpu.memref_slice %arg4[%add3A_601, %dma_wait3A_664] : memref<32768x768xf32, #tpu.memory_space<hbm>> -> memref<8x768xf32, #tpu.memory_space<hbm>>
        %dma_wait3A_666 = arith.constant 0 : i32
        %dma_wait3A_667 = arith.constant 0 : i32
        %dma_wait3A_668 = tpu.memref_slice %arg5[%dma_wait3A_653, %dma_wait3A_654, %dma_wait3A_666, %dma_wait3A_667] : memref<4x4x8x768xf32, #tpu.memory_space<vmem>> -> memref<1x1x8x768xf32, #tpu.memory_space<vmem>>
        %dma_wait3A_669 = tpu.memref_squeeze %dma_wait3A_668 : memref<1x1x8x768xf32, #tpu.memory_space<vmem>> -> memref<8x768xf32, #tpu.memory_space<vmem>>
        tpu.wait_dma2 semaphore(%dma_wait3A_663 : memref<!tpu.dma_semaphore, #tpu.memory_space<semaphore_mem>>) src(%dma_wait3A_669 : memref<8x768xf32, #tpu.memory_space<vmem>>) dst(%dma_wait3A_665 : memref<8x768xf32, #tpu.memory_space<hbm>>)
      } else {
      }
      %mul3A_423 = arith.constant 8 : i32
      %mul3A_424 = arith.muli %add3A_417, %mul3A_423 : i32
      %add3A_425 = arith.addi %mul3A_2, %mul3A_424 : i32
      %add3A_426 = arith.constant 0 : i32
      %add3A_427 = arith.addi %add3A_426, %add3A_425 : i32
      %add3A_428 = arith.constant 8192 : i32
      %add3A_429 = arith.addi %add3A_428, %add3A_425 : i32
      %add3A_430 = arith.constant 16384 : i32
      %add3A_431 = arith.addi %add3A_430, %add3A_425 : i32
      %add3A_432 = arith.constant 24576 : i32
      %add3A_433 = arith.addi %add3A_432, %add3A_425 : i32
      %dma_start3A_434 = arith.constant 2 : i32
      %dma_start3A_435 = arith.constant 0 : i32
      %dma_start3A_436 = arith.constant 2 : i32
      %dma_start3A_437 = arith.constant 0 : i32
      %dma_start3A_438 = arith.constant 0 : i32
      %dma_start3A_439 = tpu.memref_slice %arg5[%dma_start3A_434, %dma_start3A_435, %dma_start3A_437, %dma_start3A_438] : memref<4x4x8x768xf32, #tpu.memory_space<vmem>> -> memref<1x1x8x768xf32, #tpu.memory_space<vmem>>
      %dma_start3A_440 = tpu.memref_squeeze %dma_start3A_439 : memref<1x1x8x768xf32, #tpu.memory_space<vmem>> -> memref<8x768xf32, #tpu.memory_space<vmem>>
      %dma_start3A_441 = arith.constant 0 : i32
      %dma_start3A_442 = tpu.memref_slice %arg4[%add3A_427, %dma_start3A_441] : memref<32768x768xf32, #tpu.memory_space<hbm>> -> memref<8x768xf32, #tpu.memory_space<hbm>>
      %dma_start3A_443 = tpu.memref_slice %arg8[%dma_start3A_436] : memref<4x!tpu.dma_semaphore, #tpu.memory_space<semaphore_mem>> -> memref<1x!tpu.dma_semaphore, #tpu.memory_space<semaphore_mem>>
      %dma_start3A_444 = tpu.memref_squeeze %dma_start3A_443 : memref<1x!tpu.dma_semaphore, #tpu.memory_space<semaphore_mem>> -> memref<!tpu.dma_semaphore, #tpu.memory_space<semaphore_mem>>
      %dma_start3A_445 = arith.constant 0 : i32
      %dma_start3A_446 = tpu.memref_slice %arg4[%add3A_427, %dma_start3A_445] : memref<32768x768xf32, #tpu.memory_space<hbm>> -> memref<8x768xf32, #tpu.memory_space<hbm>>
      %dma_start3A_447 = arith.constant 0 : i32
      %dma_start3A_448 = arith.constant 0 : i32
      %dma_start3A_449 = tpu.memref_slice %arg5[%dma_start3A_434, %dma_start3A_435, %dma_start3A_447, %dma_start3A_448] : memref<4x4x8x768xf32, #tpu.memory_space<vmem>> -> memref<1x1x8x768xf32, #tpu.memory_space<vmem>>
      %dma_start3A_450 = tpu.memref_squeeze %dma_start3A_449 : memref<1x1x8x768xf32, #tpu.memory_space<vmem>> -> memref<8x768xf32, #tpu.memory_space<vmem>>
      tpu.enqueue_dma source(%dma_start3A_450 : memref<8x768xf32, #tpu.memory_space<vmem>>) target(%dma_start3A_446 : memref<8x768xf32, #tpu.memory_space<hbm>>) target_semaphore(%dma_start3A_444 : memref<!tpu.dma_semaphore, #tpu.memory_space<semaphore_mem>>)
      %dma_start3A_451 = arith.constant 2 : i32
      %dma_start3A_452 = arith.constant 1 : i32
      %dma_start3A_453 = arith.constant 2 : i32
      %dma_start3A_454 = arith.constant 0 : i32
      %dma_start3A_455 = arith.constant 0 : i32
      %dma_start3A_456 = tpu.memref_slice %arg5[%dma_start3A_451, %dma_start3A_452, %dma_start3A_454, %dma_start3A_455] : memref<4x4x8x768xf32, #tpu.memory_space<vmem>> -> memref<1x1x8x768xf32, #tpu.memory_space<vmem>>
      %dma_start3A_457 = tpu.memref_squeeze %dma_start3A_456 : memref<1x1x8x768xf32, #tpu.memory_space<vmem>> -> memref<8x768xf32, #tpu.memory_space<vmem>>
      %dma_start3A_458 = arith.constant 0 : i32
      %dma_start3A_459 = tpu.memref_slice %arg4[%add3A_429, %dma_start3A_458] : memref<32768x768xf32, #tpu.memory_space<hbm>> -> memref<8x768xf32, #tpu.memory_space<hbm>>
      %dma_start3A_460 = tpu.memref_slice %arg8[%dma_start3A_453] : memref<4x!tpu.dma_semaphore, #tpu.memory_space<semaphore_mem>> -> memref<1x!tpu.dma_semaphore, #tpu.memory_space<semaphore_mem>>
      %dma_start3A_461 = tpu.memref_squeeze %dma_start3A_460 : memref<1x!tpu.dma_semaphore, #tpu.memory_space<semaphore_mem>> -> memref<!tpu.dma_semaphore, #tpu.memory_space<semaphore_mem>>
      %dma_start3A_462 = arith.constant 0 : i32
      %dma_start3A_463 = tpu.memref_slice %arg4[%add3A_429, %dma_start3A_462] : memref<32768x768xf32, #tpu.memory_space<hbm>> -> memref<8x768xf32, #tpu.memory_space<hbm>>
      %dma_start3A_464 = arith.constant 0 : i32
      %dma_start3A_465 = arith.constant 0 : i32
      %dma_start3A_466 = tpu.memref_slice %arg5[%dma_start3A_451, %dma_start3A_452, %dma_start3A_464, %dma_start3A_465] : memref<4x4x8x768xf32, #tpu.memory_space<vmem>> -> memref<1x1x8x768xf32, #tpu.memory_space<vmem>>
      %dma_start3A_467 = tpu.memref_squeeze %dma_start3A_466 : memref<1x1x8x768xf32, #tpu.memory_space<vmem>> -> memref<8x768xf32, #tpu.memory_space<vmem>>
      tpu.enqueue_dma source(%dma_start3A_467 : memref<8x768xf32, #tpu.memory_space<vmem>>) target(%dma_start3A_463 : memref<8x768xf32, #tpu.memory_space<hbm>>) target_semaphore(%dma_start3A_461 : memref<!tpu.dma_semaphore, #tpu.memory_space<semaphore_mem>>)
      %dma_start3A_468 = arith.constant 2 : i32
      %dma_start3A_469 = arith.constant 2 : i32
      %dma_start3A_470 = arith.constant 2 : i32
      %dma_start3A_471 = arith.constant 0 : i32
      %dma_start3A_472 = arith.constant 0 : i32
      %dma_start3A_473 = tpu.memref_slice %arg5[%dma_start3A_468, %dma_start3A_469, %dma_start3A_471, %dma_start3A_472] : memref<4x4x8x768xf32, #tpu.memory_space<vmem>> -> memref<1x1x8x768xf32, #tpu.memory_space<vmem>>
      %dma_start3A_474 = tpu.memref_squeeze %dma_start3A_473 : memref<1x1x8x768xf32, #tpu.memory_space<vmem>> -> memref<8x768xf32, #tpu.memory_space<vmem>>
      %dma_start3A_475 = arith.constant 0 : i32
      %dma_start3A_476 = tpu.memref_slice %arg4[%add3A_431, %dma_start3A_475] : memref<32768x768xf32, #tpu.memory_space<hbm>> -> memref<8x768xf32, #tpu.memory_space<hbm>>
      %dma_start3A_477 = tpu.memref_slice %arg8[%dma_start3A_470] : memref<4x!tpu.dma_semaphore, #tpu.memory_space<semaphore_mem>> -> memref<1x!tpu.dma_semaphore, #tpu.memory_space<semaphore_mem>>
      %dma_start3A_478 = tpu.memref_squeeze %dma_start3A_477 : memref<1x!tpu.dma_semaphore, #tpu.memory_space<semaphore_mem>> -> memref<!tpu.dma_semaphore, #tpu.memory_space<semaphore_mem>>
      %dma_start3A_479 = arith.constant 0 : i32
      %dma_start3A_480 = tpu.memref_slice %arg4[%add3A_431, %dma_start3A_479] : memref<32768x768xf32, #tpu.memory_space<hbm>> -> memref<8x768xf32, #tpu.memory_space<hbm>>
      %dma_start3A_481 = arith.constant 0 : i32
      %dma_start3A_482 = arith.constant 0 : i32
      %dma_start3A_483 = tpu.memref_slice %arg5[%dma_start3A_468, %dma_start3A_469, %dma_start3A_481, %dma_start3A_482] : memref<4x4x8x768xf32, #tpu.memory_space<vmem>> -> memref<1x1x8x768xf32, #tpu.memory_space<vmem>>
      %dma_start3A_484 = tpu.memref_squeeze %dma_start3A_483 : memref<1x1x8x768xf32, #tpu.memory_space<vmem>> -> memref<8x768xf32, #tpu.memory_space<vmem>>
      tpu.enqueue_dma source(%dma_start3A_484 : memref<8x768xf32, #tpu.memory_space<vmem>>) target(%dma_start3A_480 : memref<8x768xf32, #tpu.memory_space<hbm>>) target_semaphore(%dma_start3A_478 : memref<!tpu.dma_semaphore, #tpu.memory_space<semaphore_mem>>)
      %dma_start3A_485 = arith.constant 2 : i32
      %dma_start3A_486 = arith.constant 3 : i32
      %dma_start3A_487 = arith.constant 2 : i32
      %dma_start3A_488 = arith.constant 0 : i32
      %dma_start3A_489 = arith.constant 0 : i32
      %dma_start3A_490 = tpu.memref_slice %arg5[%dma_start3A_485, %dma_start3A_486, %dma_start3A_488, %dma_start3A_489] : memref<4x4x8x768xf32, #tpu.memory_space<vmem>> -> memref<1x1x8x768xf32, #tpu.memory_space<vmem>>
      %dma_start3A_491 = tpu.memref_squeeze %dma_start3A_490 : memref<1x1x8x768xf32, #tpu.memory_space<vmem>> -> memref<8x768xf32, #tpu.memory_space<vmem>>
      %dma_start3A_492 = arith.constant 0 : i32
      %dma_start3A_493 = tpu.memref_slice %arg4[%add3A_433, %dma_start3A_492] : memref<32768x768xf32, #tpu.memory_space<hbm>> -> memref<8x768xf32, #tpu.memory_space<hbm>>
      %dma_start3A_494 = tpu.memref_slice %arg8[%dma_start3A_487] : memref<4x!tpu.dma_semaphore, #tpu.memory_space<semaphore_mem>> -> memref<1x!tpu.dma_semaphore, #tpu.memory_space<semaphore_mem>>
      %dma_start3A_495 = tpu.memref_squeeze %dma_start3A_494 : memref<1x!tpu.dma_semaphore, #tpu.memory_space<semaphore_mem>> -> memref<!tpu.dma_semaphore, #tpu.memory_space<semaphore_mem>>
      %dma_start3A_496 = arith.constant 0 : i32
      %dma_start3A_497 = tpu.memref_slice %arg4[%add3A_433, %dma_start3A_496] : memref<32768x768xf32, #tpu.memory_space<hbm>> -> memref<8x768xf32, #tpu.memory_space<hbm>>
      %dma_start3A_498 = arith.constant 0 : i32
      %dma_start3A_499 = arith.constant 0 : i32
      %dma_start3A_500 = tpu.memref_slice %arg5[%dma_start3A_485, %dma_start3A_486, %dma_start3A_498, %dma_start3A_499] : memref<4x4x8x768xf32, #tpu.memory_space<vmem>> -> memref<1x1x8x768xf32, #tpu.memory_space<vmem>>
      %dma_start3A_501 = tpu.memref_squeeze %dma_start3A_500 : memref<1x1x8x768xf32, #tpu.memory_space<vmem>> -> memref<8x768xf32, #tpu.memory_space<vmem>>
      tpu.enqueue_dma source(%dma_start3A_501 : memref<8x768xf32, #tpu.memory_space<vmem>>) target(%dma_start3A_497 : memref<8x768xf32, #tpu.memory_space<hbm>>) target_semaphore(%dma_start3A_495 : memref<!tpu.dma_semaphore, #tpu.memory_space<semaphore_mem>>)
      %mul3A_502 = arith.constant 4 : i32
      %mul3A_503 = arith.muli %scan3A_241, %mul3A_502 : i32
      %add3A_504 = arith.constant 3 : i32
      %add3A_505 = arith.addi %mul3A_503, %add3A_504 : i32
      %ge3A_506 = arith.constant 3 : i32
      %ge3A_507 = arith.cmpi sge, %add3A_505, %ge3A_506 : i32
      %convert_element_type3A_508 = arith.extui %ge3A_507 : i1 to i32
      %cond3A_509 = arith.constant 0 : i32
      %cond3A_510 = arith.cmpi ne, %convert_element_type3A_508, %cond3A_509 : i32
      scf.if %cond3A_510 {
        %sub3A = arith.constant 3 : i32
        %sub3A_590 = arith.subi %add3A_505, %sub3A : i32
        %mul3A_591 = arith.constant 8 : i32
        %mul3A_592 = arith.muli %sub3A_590, %mul3A_591 : i32
        %add3A_593 = arith.addi %mul3A_2, %mul3A_592 : i32
        %add3A_594 = arith.constant 0 : i32
        %add3A_595 = arith.addi %add3A_594, %add3A_593 : i32
        %add3A_596 = arith.constant 8192 : i32
        %add3A_597 = arith.addi %add3A_596, %add3A_593 : i32
        %add3A_598 = arith.constant 16384 : i32
        %add3A_599 = arith.addi %add3A_598, %add3A_593 : i32
        %add3A_600 = arith.constant 24576 : i32
        %add3A_601 = arith.addi %add3A_600, %add3A_593 : i32
        %dma_wait3A_602 = arith.constant 0 : i32
        %dma_wait3A_603 = arith.constant 0 : i32
        %dma_wait3A_604 = arith.constant 0 : i32
        %dma_wait3A_605 = arith.constant 0 : i32
        %dma_wait3A_606 = arith.constant 0 : i32
        %dma_wait3A_607 = tpu.memref_slice %arg5[%dma_wait3A_602, %dma_wait3A_603, %dma_wait3A_605, %dma_wait3A_606] : memref<4x4x8x768xf32, #tpu.memory_space<vmem>> -> memref<1x1x8x768xf32, #tpu.memory_space<vmem>>
        %dma_wait3A_608 = tpu.memref_squeeze %dma_wait3A_607 : memref<1x1x8x768xf32, #tpu.memory_space<vmem>> -> memref<8x768xf32, #tpu.memory_space<vmem>>
        %dma_wait3A_609 = arith.constant 0 : i32
        %dma_wait3A_610 = tpu.memref_slice %arg4[%add3A_595, %dma_wait3A_609] : memref<32768x768xf32, #tpu.memory_space<hbm>> -> memref<8x768xf32, #tpu.memory_space<hbm>>
        %dma_wait3A_611 = tpu.memref_slice %arg8[%dma_wait3A_604] : memref<4x!tpu.dma_semaphore, #tpu.memory_space<semaphore_mem>> -> memref<1x!tpu.dma_semaphore, #tpu.memory_space<semaphore_mem>>
        %dma_wait3A_612 = tpu.memref_squeeze %dma_wait3A_611 : memref<1x!tpu.dma_semaphore, #tpu.memory_space<semaphore_mem>> -> memref<!tpu.dma_semaphore, #tpu.memory_space<semaphore_mem>>
        %dma_wait3A_613 = arith.constant 0 : i32
        %dma_wait3A_614 = tpu.memref_slice %arg4[%add3A_595, %dma_wait3A_613] : memref<32768x768xf32, #tpu.memory_space<hbm>> -> memref<8x768xf32, #tpu.memory_space<hbm>>
        %dma_wait3A_615 = arith.constant 0 : i32
        %dma_wait3A_616 = arith.constant 0 : i32
        %dma_wait3A_617 = tpu.memref_slice %arg5[%dma_wait3A_602, %dma_wait3A_603, %dma_wait3A_615, %dma_wait3A_616] : memref<4x4x8x768xf32, #tpu.memory_space<vmem>> -> memref<1x1x8x768xf32, #tpu.memory_space<vmem>>
        %dma_wait3A_618 = tpu.memref_squeeze %dma_wait3A_617 : memref<1x1x8x768xf32, #tpu.memory_space<vmem>> -> memref<8x768xf32, #tpu.memory_space<vmem>>
        tpu.wait_dma2 semaphore(%dma_wait3A_612 : memref<!tpu.dma_semaphore, #tpu.memory_space<semaphore_mem>>) src(%dma_wait3A_618 : memref<8x768xf32, #tpu.memory_space<vmem>>) dst(%dma_wait3A_614 : memref<8x768xf32, #tpu.memory_space<hbm>>)
        %dma_wait3A_619 = arith.constant 0 : i32
        %dma_wait3A_620 = arith.constant 1 : i32
        %dma_wait3A_621 = arith.constant 0 : i32
        %dma_wait3A_622 = arith.constant 0 : i32
        %dma_wait3A_623 = arith.constant 0 : i32
        %dma_wait3A_624 = tpu.memref_slice %arg5[%dma_wait3A_619, %dma_wait3A_620, %dma_wait3A_622, %dma_wait3A_623] : memref<4x4x8x768xf32, #tpu.memory_space<vmem>> -> memref<1x1x8x768xf32, #tpu.memory_space<vmem>>
        %dma_wait3A_625 = tpu.memref_squeeze %dma_wait3A_624 : memref<1x1x8x768xf32, #tpu.memory_space<vmem>> -> memref<8x768xf32, #tpu.memory_space<vmem>>
        %dma_wait3A_626 = arith.constant 0 : i32
        %dma_wait3A_627 = tpu.memref_slice %arg4[%add3A_597, %dma_wait3A_626] : memref<32768x768xf32, #tpu.memory_space<hbm>> -> memref<8x768xf32, #tpu.memory_space<hbm>>
        %dma_wait3A_628 = tpu.memref_slice %arg8[%dma_wait3A_621] : memref<4x!tpu.dma_semaphore, #tpu.memory_space<semaphore_mem>> -> memref<1x!tpu.dma_semaphore, #tpu.memory_space<semaphore_mem>>
        %dma_wait3A_629 = tpu.memref_squeeze %dma_wait3A_628 : memref<1x!tpu.dma_semaphore, #tpu.memory_space<semaphore_mem>> -> memref<!tpu.dma_semaphore, #tpu.memory_space<semaphore_mem>>
        %dma_wait3A_630 = arith.constant 0 : i32
        %dma_wait3A_631 = tpu.memref_slice %arg4[%add3A_597, %dma_wait3A_630] : memref<32768x768xf32, #tpu.memory_space<hbm>> -> memref<8x768xf32, #tpu.memory_space<hbm>>
        %dma_wait3A_632 = arith.constant 0 : i32
        %dma_wait3A_633 = arith.constant 0 : i32
        %dma_wait3A_634 = tpu.memref_slice %arg5[%dma_wait3A_619, %dma_wait3A_620, %dma_wait3A_632, %dma_wait3A_633] : memref<4x4x8x768xf32, #tpu.memory_space<vmem>> -> memref<1x1x8x768xf32, #tpu.memory_space<vmem>>
        %dma_wait3A_635 = tpu.memref_squeeze %dma_wait3A_634 : memref<1x1x8x768xf32, #tpu.memory_space<vmem>> -> memref<8x768xf32, #tpu.memory_space<vmem>>
        tpu.wait_dma2 semaphore(%dma_wait3A_629 : memref<!tpu.dma_semaphore, #tpu.memory_space<semaphore_mem>>) src(%dma_wait3A_635 : memref<8x768xf32, #tpu.memory_space<vmem>>) dst(%dma_wait3A_631 : memref<8x768xf32, #tpu.memory_space<hbm>>)
        %dma_wait3A_636 = arith.constant 0 : i32
        %dma_wait3A_637 = arith.constant 2 : i32
        %dma_wait3A_638 = arith.constant 0 : i32
        %dma_wait3A_639 = arith.constant 0 : i32
        %dma_wait3A_640 = arith.constant 0 : i32
        %dma_wait3A_641 = tpu.memref_slice %arg5[%dma_wait3A_636, %dma_wait3A_637, %dma_wait3A_639, %dma_wait3A_640] : memref<4x4x8x768xf32, #tpu.memory_space<vmem>> -> memref<1x1x8x768xf32, #tpu.memory_space<vmem>>
        %dma_wait3A_642 = tpu.memref_squeeze %dma_wait3A_641 : memref<1x1x8x768xf32, #tpu.memory_space<vmem>> -> memref<8x768xf32, #tpu.memory_space<vmem>>
        %dma_wait3A_643 = arith.constant 0 : i32
        %dma_wait3A_644 = tpu.memref_slice %arg4[%add3A_599, %dma_wait3A_643] : memref<32768x768xf32, #tpu.memory_space<hbm>> -> memref<8x768xf32, #tpu.memory_space<hbm>>
        %dma_wait3A_645 = tpu.memref_slice %arg8[%dma_wait3A_638] : memref<4x!tpu.dma_semaphore, #tpu.memory_space<semaphore_mem>> -> memref<1x!tpu.dma_semaphore, #tpu.memory_space<semaphore_mem>>
        %dma_wait3A_646 = tpu.memref_squeeze %dma_wait3A_645 : memref<1x!tpu.dma_semaphore, #tpu.memory_space<semaphore_mem>> -> memref<!tpu.dma_semaphore, #tpu.memory_space<semaphore_mem>>
        %dma_wait3A_647 = arith.constant 0 : i32
        %dma_wait3A_648 = tpu.memref_slice %arg4[%add3A_599, %dma_wait3A_647] : memref<32768x768xf32, #tpu.memory_space<hbm>> -> memref<8x768xf32, #tpu.memory_space<hbm>>
        %dma_wait3A_649 = arith.constant 0 : i32
        %dma_wait3A_650 = arith.constant 0 : i32
        %dma_wait3A_651 = tpu.memref_slice %arg5[%dma_wait3A_636, %dma_wait3A_637, %dma_wait3A_649, %dma_wait3A_650] : memref<4x4x8x768xf32, #tpu.memory_space<vmem>> -> memref<1x1x8x768xf32, #tpu.memory_space<vmem>>
        %dma_wait3A_652 = tpu.memref_squeeze %dma_wait3A_651 : memref<1x1x8x768xf32, #tpu.memory_space<vmem>> -> memref<8x768xf32, #tpu.memory_space<vmem>>
        tpu.wait_dma2 semaphore(%dma_wait3A_646 : memref<!tpu.dma_semaphore, #tpu.memory_space<semaphore_mem>>) src(%dma_wait3A_652 : memref<8x768xf32, #tpu.memory_space<vmem>>) dst(%dma_wait3A_648 : memref<8x768xf32, #tpu.memory_space<hbm>>)
        %dma_wait3A_653 = arith.constant 0 : i32
        %dma_wait3A_654 = arith.constant 3 : i32
        %dma_wait3A_655 = arith.constant 0 : i32
        %dma_wait3A_656 = arith.constant 0 : i32
        %dma_wait3A_657 = arith.constant 0 : i32
        %dma_wait3A_658 = tpu.memref_slice %arg5[%dma_wait3A_653, %dma_wait3A_654, %dma_wait3A_656, %dma_wait3A_657] : memref<4x4x8x768xf32, #tpu.memory_space<vmem>> -> memref<1x1x8x768xf32, #tpu.memory_space<vmem>>
        %dma_wait3A_659 = tpu.memref_squeeze %dma_wait3A_658 : memref<1x1x8x768xf32, #tpu.memory_space<vmem>> -> memref<8x768xf32, #tpu.memory_space<vmem>>
        %dma_wait3A_660 = arith.constant 0 : i32
        %dma_wait3A_661 = tpu.memref_slice %arg4[%add3A_601, %dma_wait3A_660] : memref<32768x768xf32, #tpu.memory_space<hbm>> -> memref<8x768xf32, #tpu.memory_space<hbm>>
        %dma_wait3A_662 = tpu.memref_slice %arg8[%dma_wait3A_655] : memref<4x!tpu.dma_semaphore, #tpu.memory_space<semaphore_mem>> -> memref<1x!tpu.dma_semaphore, #tpu.memory_space<semaphore_mem>>
        %dma_wait3A_663 = tpu.memref_squeeze %dma_wait3A_662 : memref<1x!tpu.dma_semaphore, #tpu.memory_space<semaphore_mem>> -> memref<!tpu.dma_semaphore, #tpu.memory_space<semaphore_mem>>
        %dma_wait3A_664 = arith.constant 0 : i32
        %dma_wait3A_665 = tpu.memref_slice %arg4[%add3A_601, %dma_wait3A_664] : memref<32768x768xf32, #tpu.memory_space<hbm>> -> memref<8x768xf32, #tpu.memory_space<hbm>>
        %dma_wait3A_666 = arith.constant 0 : i32
        %dma_wait3A_667 = arith.constant 0 : i32
        %dma_wait3A_668 = tpu.memref_slice %arg5[%dma_wait3A_653, %dma_wait3A_654, %dma_wait3A_666, %dma_wait3A_667] : memref<4x4x8x768xf32, #tpu.memory_space<vmem>> -> memref<1x1x8x768xf32, #tpu.memory_space<vmem>>
        %dma_wait3A_669 = tpu.memref_squeeze %dma_wait3A_668 : memref<1x1x8x768xf32, #tpu.memory_space<vmem>> -> memref<8x768xf32, #tpu.memory_space<vmem>>
        tpu.wait_dma2 semaphore(%dma_wait3A_663 : memref<!tpu.dma_semaphore, #tpu.memory_space<semaphore_mem>>) src(%dma_wait3A_669 : memref<8x768xf32, #tpu.memory_space<vmem>>) dst(%dma_wait3A_665 : memref<8x768xf32, #tpu.memory_space<hbm>>)
      } else {
      }
      %mul3A_511 = arith.constant 8 : i32
      %mul3A_512 = arith.muli %add3A_505, %mul3A_511 : i32
      %add3A_513 = arith.addi %mul3A_2, %mul3A_512 : i32
      %add3A_514 = arith.constant 0 : i32
      %add3A_515 = arith.addi %add3A_514, %add3A_513 : i32
      %add3A_516 = arith.constant 8192 : i32
      %add3A_517 = arith.addi %add3A_516, %add3A_513 : i32
      %add3A_518 = arith.constant 16384 : i32
      %add3A_519 = arith.addi %add3A_518, %add3A_513 : i32
      %add3A_520 = arith.constant 24576 : i32
      %add3A_521 = arith.addi %add3A_520, %add3A_513 : i32
      %dma_start3A_522 = arith.constant 3 : i32
      %dma_start3A_523 = arith.constant 0 : i32
      %dma_start3A_524 = arith.constant 3 : i32
      %dma_start3A_525 = arith.constant 0 : i32
      %dma_start3A_526 = arith.constant 0 : i32
      %dma_start3A_527 = tpu.memref_slice %arg5[%dma_start3A_522, %dma_start3A_523, %dma_start3A_525, %dma_start3A_526] : memref<4x4x8x768xf32, #tpu.memory_space<vmem>> -> memref<1x1x8x768xf32, #tpu.memory_space<vmem>>
      %dma_start3A_528 = tpu.memref_squeeze %dma_start3A_527 : memref<1x1x8x768xf32, #tpu.memory_space<vmem>> -> memref<8x768xf32, #tpu.memory_space<vmem>>
      %dma_start3A_529 = arith.constant 0 : i32
      %dma_start3A_530 = tpu.memref_slice %arg4[%add3A_515, %dma_start3A_529] : memref<32768x768xf32, #tpu.memory_space<hbm>> -> memref<8x768xf32, #tpu.memory_space<hbm>>
      %dma_start3A_531 = tpu.memref_slice %arg8[%dma_start3A_524] : memref<4x!tpu.dma_semaphore, #tpu.memory_space<semaphore_mem>> -> memref<1x!tpu.dma_semaphore, #tpu.memory_space<semaphore_mem>>
      %dma_start3A_532 = tpu.memref_squeeze %dma_start3A_531 : memref<1x!tpu.dma_semaphore, #tpu.memory_space<semaphore_mem>> -> memref<!tpu.dma_semaphore, #tpu.memory_space<semaphore_mem>>
      %dma_start3A_533 = arith.constant 0 : i32
      %dma_start3A_534 = tpu.memref_slice %arg4[%add3A_515, %dma_start3A_533] : memref<32768x768xf32, #tpu.memory_space<hbm>> -> memref<8x768xf32, #tpu.memory_space<hbm>>
      %dma_start3A_535 = arith.constant 0 : i32
      %dma_start3A_536 = arith.constant 0 : i32
      %dma_start3A_537 = tpu.memref_slice %arg5[%dma_start3A_522, %dma_start3A_523, %dma_start3A_535, %dma_start3A_536] : memref<4x4x8x768xf32, #tpu.memory_space<vmem>> -> memref<1x1x8x768xf32, #tpu.memory_space<vmem>>
      %dma_start3A_538 = tpu.memref_squeeze %dma_start3A_537 : memref<1x1x8x768xf32, #tpu.memory_space<vmem>> -> memref<8x768xf32, #tpu.memory_space<vmem>>
      tpu.enqueue_dma source(%dma_start3A_538 : memref<8x768xf32, #tpu.memory_space<vmem>>) target(%dma_start3A_534 : memref<8x768xf32, #tpu.memory_space<hbm>>) target_semaphore(%dma_start3A_532 : memref<!tpu.dma_semaphore, #tpu.memory_space<semaphore_mem>>)
      %dma_start3A_539 = arith.constant 3 : i32
      %dma_start3A_540 = arith.constant 1 : i32
      %dma_start3A_541 = arith.constant 3 : i32
      %dma_start3A_542 = arith.constant 0 : i32
      %dma_start3A_543 = arith.constant 0 : i32
      %dma_start3A_544 = tpu.memref_slice %arg5[%dma_start3A_539, %dma_start3A_540, %dma_start3A_542, %dma_start3A_543] : memref<4x4x8x768xf32, #tpu.memory_space<vmem>> -> memref<1x1x8x768xf32, #tpu.memory_space<vmem>>
      %dma_start3A_545 = tpu.memref_squeeze %dma_start3A_544 : memref<1x1x8x768xf32, #tpu.memory_space<vmem>> -> memref<8x768xf32, #tpu.memory_space<vmem>>
      %dma_start3A_546 = arith.constant 0 : i32
      %dma_start3A_547 = tpu.memref_slice %arg4[%add3A_517, %dma_start3A_546] : memref<32768x768xf32, #tpu.memory_space<hbm>> -> memref<8x768xf32, #tpu.memory_space<hbm>>
      %dma_start3A_548 = tpu.memref_slice %arg8[%dma_start3A_541] : memref<4x!tpu.dma_semaphore, #tpu.memory_space<semaphore_mem>> -> memref<1x!tpu.dma_semaphore, #tpu.memory_space<semaphore_mem>>
      %dma_start3A_549 = tpu.memref_squeeze %dma_start3A_548 : memref<1x!tpu.dma_semaphore, #tpu.memory_space<semaphore_mem>> -> memref<!tpu.dma_semaphore, #tpu.memory_space<semaphore_mem>>
      %dma_start3A_550 = arith.constant 0 : i32
      %dma_start3A_551 = tpu.memref_slice %arg4[%add3A_517, %dma_start3A_550] : memref<32768x768xf32, #tpu.memory_space<hbm>> -> memref<8x768xf32, #tpu.memory_space<hbm>>
      %dma_start3A_552 = arith.constant 0 : i32
      %dma_start3A_553 = arith.constant 0 : i32
      %dma_start3A_554 = tpu.memref_slice %arg5[%dma_start3A_539, %dma_start3A_540, %dma_start3A_552, %dma_start3A_553] : memref<4x4x8x768xf32, #tpu.memory_space<vmem>> -> memref<1x1x8x768xf32, #tpu.memory_space<vmem>>
      %dma_start3A_555 = tpu.memref_squeeze %dma_start3A_554 : memref<1x1x8x768xf32, #tpu.memory_space<vmem>> -> memref<8x768xf32, #tpu.memory_space<vmem>>
      tpu.enqueue_dma source(%dma_start3A_555 : memref<8x768xf32, #tpu.memory_space<vmem>>) target(%dma_start3A_551 : memref<8x768xf32, #tpu.memory_space<hbm>>) target_semaphore(%dma_start3A_549 : memref<!tpu.dma_semaphore, #tpu.memory_space<semaphore_mem>>)
      %dma_start3A_556 = arith.constant 3 : i32
      %dma_start3A_557 = arith.constant 2 : i32
      %dma_start3A_558 = arith.constant 3 : i32
      %dma_start3A_559 = arith.constant 0 : i32
      %dma_start3A_560 = arith.constant 0 : i32
      %dma_start3A_561 = tpu.memref_slice %arg5[%dma_start3A_556, %dma_start3A_557, %dma_start3A_559, %dma_start3A_560] : memref<4x4x8x768xf32, #tpu.memory_space<vmem>> -> memref<1x1x8x768xf32, #tpu.memory_space<vmem>>
      %dma_start3A_562 = tpu.memref_squeeze %dma_start3A_561 : memref<1x1x8x768xf32, #tpu.memory_space<vmem>> -> memref<8x768xf32, #tpu.memory_space<vmem>>
      %dma_start3A_563 = arith.constant 0 : i32
      %dma_start3A_564 = tpu.memref_slice %arg4[%add3A_519, %dma_start3A_563] : memref<32768x768xf32, #tpu.memory_space<hbm>> -> memref<8x768xf32, #tpu.memory_space<hbm>>
      %dma_start3A_565 = tpu.memref_slice %arg8[%dma_start3A_558] : memref<4x!tpu.dma_semaphore, #tpu.memory_space<semaphore_mem>> -> memref<1x!tpu.dma_semaphore, #tpu.memory_space<semaphore_mem>>
      %dma_start3A_566 = tpu.memref_squeeze %dma_start3A_565 : memref<1x!tpu.dma_semaphore, #tpu.memory_space<semaphore_mem>> -> memref<!tpu.dma_semaphore, #tpu.memory_space<semaphore_mem>>
      %dma_start3A_567 = arith.constant 0 : i32
      %dma_start3A_568 = tpu.memref_slice %arg4[%add3A_519, %dma_start3A_567] : memref<32768x768xf32, #tpu.memory_space<hbm>> -> memref<8x768xf32, #tpu.memory_space<hbm>>
      %dma_start3A_569 = arith.constant 0 : i32
      %dma_start3A_570 = arith.constant 0 : i32
      %dma_start3A_571 = tpu.memref_slice %arg5[%dma_start3A_556, %dma_start3A_557, %dma_start3A_569, %dma_start3A_570] : memref<4x4x8x768xf32, #tpu.memory_space<vmem>> -> memref<1x1x8x768xf32, #tpu.memory_space<vmem>>
      %dma_start3A_572 = tpu.memref_squeeze %dma_start3A_571 : memref<1x1x8x768xf32, #tpu.memory_space<vmem>> -> memref<8x768xf32, #tpu.memory_space<vmem>>
      tpu.enqueue_dma source(%dma_start3A_572 : memref<8x768xf32, #tpu.memory_space<vmem>>) target(%dma_start3A_568 : memref<8x768xf32, #tpu.memory_space<hbm>>) target_semaphore(%dma_start3A_566 : memref<!tpu.dma_semaphore, #tpu.memory_space<semaphore_mem>>)
      %dma_start3A_573 = arith.constant 3 : i32
      %dma_start3A_574 = arith.constant 3 : i32
      %dma_start3A_575 = arith.constant 3 : i32
      %dma_start3A_576 = arith.constant 0 : i32
      %dma_start3A_577 = arith.constant 0 : i32
      %dma_start3A_578 = tpu.memref_slice %arg5[%dma_start3A_573, %dma_start3A_574, %dma_start3A_576, %dma_start3A_577] : memref<4x4x8x768xf32, #tpu.memory_space<vmem>> -> memref<1x1x8x768xf32, #tpu.memory_space<vmem>>
      %dma_start3A_579 = tpu.memref_squeeze %dma_start3A_578 : memref<1x1x8x768xf32, #tpu.memory_space<vmem>> -> memref<8x768xf32, #tpu.memory_space<vmem>>
      %dma_start3A_580 = arith.constant 0 : i32
      %dma_start3A_581 = tpu.memref_slice %arg4[%add3A_521, %dma_start3A_580] : memref<32768x768xf32, #tpu.memory_space<hbm>> -> memref<8x768xf32, #tpu.memory_space<hbm>>
      %dma_start3A_582 = tpu.memref_slice %arg8[%dma_start3A_575] : memref<4x!tpu.dma_semaphore, #tpu.memory_space<semaphore_mem>> -> memref<1x!tpu.dma_semaphore, #tpu.memory_space<semaphore_mem>>
      %dma_start3A_583 = tpu.memref_squeeze %dma_start3A_582 : memref<1x!tpu.dma_semaphore, #tpu.memory_space<semaphore_mem>> -> memref<!tpu.dma_semaphore, #tpu.memory_space<semaphore_mem>>
      %dma_start3A_584 = arith.constant 0 : i32
      %dma_start3A_585 = tpu.memref_slice %arg4[%add3A_521, %dma_start3A_584] : memref<32768x768xf32, #tpu.memory_space<hbm>> -> memref<8x768xf32, #tpu.memory_space<hbm>>
      %dma_start3A_586 = arith.constant 0 : i32
      %dma_start3A_587 = arith.constant 0 : i32
      %dma_start3A_588 = tpu.memref_slice %arg5[%dma_start3A_573, %dma_start3A_574, %dma_start3A_586, %dma_start3A_587] : memref<4x4x8x768xf32, #tpu.memory_space<vmem>> -> memref<1x1x8x768xf32, #tpu.memory_space<vmem>>
      %dma_start3A_589 = tpu.memref_squeeze %dma_start3A_588 : memref<1x1x8x768xf32, #tpu.memory_space<vmem>> -> memref<8x768xf32, #tpu.memory_space<vmem>>
      tpu.enqueue_dma source(%dma_start3A_589 : memref<8x768xf32, #tpu.memory_space<vmem>>) target(%dma_start3A_585 : memref<8x768xf32, #tpu.memory_space<hbm>>) target_semaphore(%dma_start3A_583 : memref<!tpu.dma_semaphore, #tpu.memory_space<semaphore_mem>>)
    }
    %scan3A_7 = arith.constant 8 : i32
    %add3A_8 = arith.constant 232 : i32
    %add3A_9 = arith.addi %mul3A_2, %add3A_8 : i32
    %add3A_10 = arith.constant 0 : i32
    %add3A_11 = arith.addi %add3A_10, %add3A_9 : i32
    %add3A_12 = arith.constant 8192 : i32
    %add3A_13 = arith.addi %add3A_12, %add3A_9 : i32
    %add3A_14 = arith.constant 16384 : i32
    %add3A_15 = arith.addi %add3A_14, %add3A_9 : i32
    %add3A_16 = arith.constant 24576 : i32
    %add3A_17 = arith.addi %add3A_16, %add3A_9 : i32
    %dma_wait3A = arith.constant 1 : i32
    %dma_wait3A_18 = arith.constant 0 : i32
    %dma_wait3A_19 = arith.constant 1 : i32
    %dma_wait3A_20 = arith.constant 0 : i32
    %dma_wait3A_21 = arith.constant 0 : i32
    %dma_wait3A_22 = tpu.memref_slice %arg5[%dma_wait3A, %dma_wait3A_18, %dma_wait3A_20, %dma_wait3A_21] : memref<4x4x8x768xf32, #tpu.memory_space<vmem>> -> memref<1x1x8x768xf32, #tpu.memory_space<vmem>>
    %dma_wait3A_23 = tpu.memref_squeeze %dma_wait3A_22 : memref<1x1x8x768xf32, #tpu.memory_space<vmem>> -> memref<8x768xf32, #tpu.memory_space<vmem>>
    %dma_wait3A_24 = arith.constant 0 : i32
    %dma_wait3A_25 = tpu.memref_slice %arg4[%add3A_11, %dma_wait3A_24] : memref<32768x768xf32, #tpu.memory_space<hbm>> -> memref<8x768xf32, #tpu.memory_space<hbm>>
    %dma_wait3A_26 = tpu.memref_slice %arg8[%dma_wait3A_19] : memref<4x!tpu.dma_semaphore, #tpu.memory_space<semaphore_mem>> -> memref<1x!tpu.dma_semaphore, #tpu.memory_space<semaphore_mem>>
    %dma_wait3A_27 = tpu.memref_squeeze %dma_wait3A_26 : memref<1x!tpu.dma_semaphore, #tpu.memory_space<semaphore_mem>> -> memref<!tpu.dma_semaphore, #tpu.memory_space<semaphore_mem>>
    %dma_wait3A_28 = arith.constant 0 : i32
    %dma_wait3A_29 = tpu.memref_slice %arg4[%add3A_11, %dma_wait3A_28] : memref<32768x768xf32, #tpu.memory_space<hbm>> -> memref<8x768xf32, #tpu.memory_space<hbm>>
    %dma_wait3A_30 = arith.constant 0 : i32
    %dma_wait3A_31 = arith.constant 0 : i32
    %dma_wait3A_32 = tpu.memref_slice %arg5[%dma_wait3A, %dma_wait3A_18, %dma_wait3A_30, %dma_wait3A_31] : memref<4x4x8x768xf32, #tpu.memory_space<vmem>> -> memref<1x1x8x768xf32, #tpu.memory_space<vmem>>
    %dma_wait3A_33 = tpu.memref_squeeze %dma_wait3A_32 : memref<1x1x8x768xf32, #tpu.memory_space<vmem>> -> memref<8x768xf32, #tpu.memory_space<vmem>>
    tpu.wait_dma2 semaphore(%dma_wait3A_27 : memref<!tpu.dma_semaphore, #tpu.memory_space<semaphore_mem>>) src(%dma_wait3A_33 : memref<8x768xf32, #tpu.memory_space<vmem>>) dst(%dma_wait3A_29 : memref<8x768xf32, #tpu.memory_space<hbm>>)
    %dma_wait3A_34 = arith.constant 1 : i32
    %dma_wait3A_35 = arith.constant 1 : i32
    %dma_wait3A_36 = arith.constant 1 : i32
    %dma_wait3A_37 = arith.constant 0 : i32
    %dma_wait3A_38 = arith.constant 0 : i32
    %dma_wait3A_39 = tpu.memref_slice %arg5[%dma_wait3A_34, %dma_wait3A_35, %dma_wait3A_37, %dma_wait3A_38] : memref<4x4x8x768xf32, #tpu.memory_space<vmem>> -> memref<1x1x8x768xf32, #tpu.memory_space<vmem>>
    %dma_wait3A_40 = tpu.memref_squeeze %dma_wait3A_39 : memref<1x1x8x768xf32, #tpu.memory_space<vmem>> -> memref<8x768xf32, #tpu.memory_space<vmem>>
    %dma_wait3A_41 = arith.constant 0 : i32
    %dma_wait3A_42 = tpu.memref_slice %arg4[%add3A_13, %dma_wait3A_41] : memref<32768x768xf32, #tpu.memory_space<hbm>> -> memref<8x768xf32, #tpu.memory_space<hbm>>
    %dma_wait3A_43 = tpu.memref_slice %arg8[%dma_wait3A_36] : memref<4x!tpu.dma_semaphore, #tpu.memory_space<semaphore_mem>> -> memref<1x!tpu.dma_semaphore, #tpu.memory_space<semaphore_mem>>
    %dma_wait3A_44 = tpu.memref_squeeze %dma_wait3A_43 : memref<1x!tpu.dma_semaphore, #tpu.memory_space<semaphore_mem>> -> memref<!tpu.dma_semaphore, #tpu.memory_space<semaphore_mem>>
    %dma_wait3A_45 = arith.constant 0 : i32
    %dma_wait3A_46 = tpu.memref_slice %arg4[%add3A_13, %dma_wait3A_45] : memref<32768x768xf32, #tpu.memory_space<hbm>> -> memref<8x768xf32, #tpu.memory_space<hbm>>
    %dma_wait3A_47 = arith.constant 0 : i32
    %dma_wait3A_48 = arith.constant 0 : i32
    %dma_wait3A_49 = tpu.memref_slice %arg5[%dma_wait3A_34, %dma_wait3A_35, %dma_wait3A_47, %dma_wait3A_48] : memref<4x4x8x768xf32, #tpu.memory_space<vmem>> -> memref<1x1x8x768xf32, #tpu.memory_space<vmem>>
    %dma_wait3A_50 = tpu.memref_squeeze %dma_wait3A_49 : memref<1x1x8x768xf32, #tpu.memory_space<vmem>> -> memref<8x768xf32, #tpu.memory_space<vmem>>
    tpu.wait_dma2 semaphore(%dma_wait3A_44 : memref<!tpu.dma_semaphore, #tpu.memory_space<semaphore_mem>>) src(%dma_wait3A_50 : memref<8x768xf32, #tpu.memory_space<vmem>>) dst(%dma_wait3A_46 : memref<8x768xf32, #tpu.memory_space<hbm>>)
    %dma_wait3A_51 = arith.constant 1 : i32
    %dma_wait3A_52 = arith.constant 2 : i32
    %dma_wait3A_53 = arith.constant 1 : i32
    %dma_wait3A_54 = arith.constant 0 : i32
    %dma_wait3A_55 = arith.constant 0 : i32
    %dma_wait3A_56 = tpu.memref_slice %arg5[%dma_wait3A_51, %dma_wait3A_52, %dma_wait3A_54, %dma_wait3A_55] : memref<4x4x8x768xf32, #tpu.memory_space<vmem>> -> memref<1x1x8x768xf32, #tpu.memory_space<vmem>>
    %dma_wait3A_57 = tpu.memref_squeeze %dma_wait3A_56 : memref<1x1x8x768xf32, #tpu.memory_space<vmem>> -> memref<8x768xf32, #tpu.memory_space<vmem>>
    %dma_wait3A_58 = arith.constant 0 : i32
    %dma_wait3A_59 = tpu.memref_slice %arg4[%add3A_15, %dma_wait3A_58] : memref<32768x768xf32, #tpu.memory_space<hbm>> -> memref<8x768xf32, #tpu.memory_space<hbm>>
    %dma_wait3A_60 = tpu.memref_slice %arg8[%dma_wait3A_53] : memref<4x!tpu.dma_semaphore, #tpu.memory_space<semaphore_mem>> -> memref<1x!tpu.dma_semaphore, #tpu.memory_space<semaphore_mem>>
    %dma_wait3A_61 = tpu.memref_squeeze %dma_wait3A_60 : memref<1x!tpu.dma_semaphore, #tpu.memory_space<semaphore_mem>> -> memref<!tpu.dma_semaphore, #tpu.memory_space<semaphore_mem>>
    %dma_wait3A_62 = arith.constant 0 : i32
    %dma_wait3A_63 = tpu.memref_slice %arg4[%add3A_15, %dma_wait3A_62] : memref<32768x768xf32, #tpu.memory_space<hbm>> -> memref<8x768xf32, #tpu.memory_space<hbm>>
    %dma_wait3A_64 = arith.constant 0 : i32
    %dma_wait3A_65 = arith.constant 0 : i32
    %dma_wait3A_66 = tpu.memref_slice %arg5[%dma_wait3A_51, %dma_wait3A_52, %dma_wait3A_64, %dma_wait3A_65] : memref<4x4x8x768xf32, #tpu.memory_space<vmem>> -> memref<1x1x8x768xf32, #tpu.memory_space<vmem>>
    %dma_wait3A_67 = tpu.memref_squeeze %dma_wait3A_66 : memref<1x1x8x768xf32, #tpu.memory_space<vmem>> -> memref<8x768xf32, #tpu.memory_space<vmem>>
    tpu.wait_dma2 semaphore(%dma_wait3A_61 : memref<!tpu.dma_semaphore, #tpu.memory_space<semaphore_mem>>) src(%dma_wait3A_67 : memref<8x768xf32, #tpu.memory_space<vmem>>) dst(%dma_wait3A_63 : memref<8x768xf32, #tpu.memory_space<hbm>>)
    %dma_wait3A_68 = arith.constant 1 : i32
    %dma_wait3A_69 = arith.constant 3 : i32
    %dma_wait3A_70 = arith.constant 1 : i32
    %dma_wait3A_71 = arith.constant 0 : i32
    %dma_wait3A_72 = arith.constant 0 : i32
    %dma_wait3A_73 = tpu.memref_slice %arg5[%dma_wait3A_68, %dma_wait3A_69, %dma_wait3A_71, %dma_wait3A_72] : memref<4x4x8x768xf32, #tpu.memory_space<vmem>> -> memref<1x1x8x768xf32, #tpu.memory_space<vmem>>
    %dma_wait3A_74 = tpu.memref_squeeze %dma_wait3A_73 : memref<1x1x8x768xf32, #tpu.memory_space<vmem>> -> memref<8x768xf32, #tpu.memory_space<vmem>>
    %dma_wait3A_75 = arith.constant 0 : i32
    %dma_wait3A_76 = tpu.memref_slice %arg4[%add3A_17, %dma_wait3A_75] : memref<32768x768xf32, #tpu.memory_space<hbm>> -> memref<8x768xf32, #tpu.memory_space<hbm>>
    %dma_wait3A_77 = tpu.memref_slice %arg8[%dma_wait3A_70] : memref<4x!tpu.dma_semaphore, #tpu.memory_space<semaphore_mem>> -> memref<1x!tpu.dma_semaphore, #tpu.memory_space<semaphore_mem>>
    %dma_wait3A_78 = tpu.memref_squeeze %dma_wait3A_77 : memref<1x!tpu.dma_semaphore, #tpu.memory_space<semaphore_mem>> -> memref<!tpu.dma_semaphore, #tpu.memory_space<semaphore_mem>>
    %dma_wait3A_79 = arith.constant 0 : i32
    %dma_wait3A_80 = tpu.memref_slice %arg4[%add3A_17, %dma_wait3A_79] : memref<32768x768xf32, #tpu.memory_space<hbm>> -> memref<8x768xf32, #tpu.memory_space<hbm>>
    %dma_wait3A_81 = arith.constant 0 : i32
    %dma_wait3A_82 = arith.constant 0 : i32
    %dma_wait3A_83 = tpu.memref_slice %arg5[%dma_wait3A_68, %dma_wait3A_69, %dma_wait3A_81, %dma_wait3A_82] : memref<4x4x8x768xf32, #tpu.memory_space<vmem>> -> memref<1x1x8x768xf32, #tpu.memory_space<vmem>>
    %dma_wait3A_84 = tpu.memref_squeeze %dma_wait3A_83 : memref<1x1x8x768xf32, #tpu.memory_space<vmem>> -> memref<8x768xf32, #tpu.memory_space<vmem>>
    tpu.wait_dma2 semaphore(%dma_wait3A_78 : memref<!tpu.dma_semaphore, #tpu.memory_space<semaphore_mem>>) src(%dma_wait3A_84 : memref<8x768xf32, #tpu.memory_space<vmem>>) dst(%dma_wait3A_80 : memref<8x768xf32, #tpu.memory_space<hbm>>)
    %add3A_85 = arith.constant 240 : i32
    %add3A_86 = arith.addi %mul3A_2, %add3A_85 : i32
    %add3A_87 = arith.constant 0 : i32
    %add3A_88 = arith.addi %add3A_87, %add3A_86 : i32
    %add3A_89 = arith.constant 8192 : i32
    %add3A_90 = arith.addi %add3A_89, %add3A_86 : i32
    %add3A_91 = arith.constant 16384 : i32
    %add3A_92 = arith.addi %add3A_91, %add3A_86 : i32
    %add3A_93 = arith.constant 24576 : i32
    %add3A_94 = arith.addi %add3A_93, %add3A_86 : i32
    %dma_wait3A_95 = arith.constant 2 : i32
    %dma_wait3A_96 = arith.constant 0 : i32
    %dma_wait3A_97 = arith.constant 2 : i32
    %dma_wait3A_98 = arith.constant 0 : i32
    %dma_wait3A_99 = arith.constant 0 : i32
    %dma_wait3A_100 = tpu.memref_slice %arg5[%dma_wait3A_95, %dma_wait3A_96, %dma_wait3A_98, %dma_wait3A_99] : memref<4x4x8x768xf32, #tpu.memory_space<vmem>> -> memref<1x1x8x768xf32, #tpu.memory_space<vmem>>
    %dma_wait3A_101 = tpu.memref_squeeze %dma_wait3A_100 : memref<1x1x8x768xf32, #tpu.memory_space<vmem>> -> memref<8x768xf32, #tpu.memory_space<vmem>>
    %dma_wait3A_102 = arith.constant 0 : i32
    %dma_wait3A_103 = tpu.memref_slice %arg4[%add3A_88, %dma_wait3A_102] : memref<32768x768xf32, #tpu.memory_space<hbm>> -> memref<8x768xf32, #tpu.memory_space<hbm>>
    %dma_wait3A_104 = tpu.memref_slice %arg8[%dma_wait3A_97] : memref<4x!tpu.dma_semaphore, #tpu.memory_space<semaphore_mem>> -> memref<1x!tpu.dma_semaphore, #tpu.memory_space<semaphore_mem>>
    %dma_wait3A_105 = tpu.memref_squeeze %dma_wait3A_104 : memref<1x!tpu.dma_semaphore, #tpu.memory_space<semaphore_mem>> -> memref<!tpu.dma_semaphore, #tpu.memory_space<semaphore_mem>>
    %dma_wait3A_106 = arith.constant 0 : i32
    %dma_wait3A_107 = tpu.memref_slice %arg4[%add3A_88, %dma_wait3A_106] : memref<32768x768xf32, #tpu.memory_space<hbm>> -> memref<8x768xf32, #tpu.memory_space<hbm>>
    %dma_wait3A_108 = arith.constant 0 : i32
    %dma_wait3A_109 = arith.constant 0 : i32
    %dma_wait3A_110 = tpu.memref_slice %arg5[%dma_wait3A_95, %dma_wait3A_96, %dma_wait3A_108, %dma_wait3A_109] : memref<4x4x8x768xf32, #tpu.memory_space<vmem>> -> memref<1x1x8x768xf32, #tpu.memory_space<vmem>>
    %dma_wait3A_111 = tpu.memref_squeeze %dma_wait3A_110 : memref<1x1x8x768xf32, #tpu.memory_space<vmem>> -> memref<8x768xf32, #tpu.memory_space<vmem>>
    tpu.wait_dma2 semaphore(%dma_wait3A_105 : memref<!tpu.dma_semaphore, #tpu.memory_space<semaphore_mem>>) src(%dma_wait3A_111 : memref<8x768xf32, #tpu.memory_space<vmem>>) dst(%dma_wait3A_107 : memref<8x768xf32, #tpu.memory_space<hbm>>)
    %dma_wait3A_112 = arith.constant 2 : i32
    %dma_wait3A_113 = arith.constant 1 : i32
    %dma_wait3A_114 = arith.constant 2 : i32
    %dma_wait3A_115 = arith.constant 0 : i32
    %dma_wait3A_116 = arith.constant 0 : i32
    %dma_wait3A_117 = tpu.memref_slice %arg5[%dma_wait3A_112, %dma_wait3A_113, %dma_wait3A_115, %dma_wait3A_116] : memref<4x4x8x768xf32, #tpu.memory_space<vmem>> -> memref<1x1x8x768xf32, #tpu.memory_space<vmem>>
    %dma_wait3A_118 = tpu.memref_squeeze %dma_wait3A_117 : memref<1x1x8x768xf32, #tpu.memory_space<vmem>> -> memref<8x768xf32, #tpu.memory_space<vmem>>
    %dma_wait3A_119 = arith.constant 0 : i32
    %dma_wait3A_120 = tpu.memref_slice %arg4[%add3A_90, %dma_wait3A_119] : memref<32768x768xf32, #tpu.memory_space<hbm>> -> memref<8x768xf32, #tpu.memory_space<hbm>>
    %dma_wait3A_121 = tpu.memref_slice %arg8[%dma_wait3A_114] : memref<4x!tpu.dma_semaphore, #tpu.memory_space<semaphore_mem>> -> memref<1x!tpu.dma_semaphore, #tpu.memory_space<semaphore_mem>>
    %dma_wait3A_122 = tpu.memref_squeeze %dma_wait3A_121 : memref<1x!tpu.dma_semaphore, #tpu.memory_space<semaphore_mem>> -> memref<!tpu.dma_semaphore, #tpu.memory_space<semaphore_mem>>
    %dma_wait3A_123 = arith.constant 0 : i32
    %dma_wait3A_124 = tpu.memref_slice %arg4[%add3A_90, %dma_wait3A_123] : memref<32768x768xf32, #tpu.memory_space<hbm>> -> memref<8x768xf32, #tpu.memory_space<hbm>>
    %dma_wait3A_125 = arith.constant 0 : i32
    %dma_wait3A_126 = arith.constant 0 : i32
    %dma_wait3A_127 = tpu.memref_slice %arg5[%dma_wait3A_112, %dma_wait3A_113, %dma_wait3A_125, %dma_wait3A_126] : memref<4x4x8x768xf32, #tpu.memory_space<vmem>> -> memref<1x1x8x768xf32, #tpu.memory_space<vmem>>
    %dma_wait3A_128 = tpu.memref_squeeze %dma_wait3A_127 : memref<1x1x8x768xf32, #tpu.memory_space<vmem>> -> memref<8x768xf32, #tpu.memory_space<vmem>>
    tpu.wait_dma2 semaphore(%dma_wait3A_122 : memref<!tpu.dma_semaphore, #tpu.memory_space<semaphore_mem>>) src(%dma_wait3A_128 : memref<8x768xf32, #tpu.memory_space<vmem>>) dst(%dma_wait3A_124 : memref<8x768xf32, #tpu.memory_space<hbm>>)
    %dma_wait3A_129 = arith.constant 2 : i32
    %dma_wait3A_130 = arith.constant 2 : i32
    %dma_wait3A_131 = arith.constant 2 : i32
    %dma_wait3A_132 = arith.constant 0 : i32
    %dma_wait3A_133 = arith.constant 0 : i32
    %dma_wait3A_134 = tpu.memref_slice %arg5[%dma_wait3A_129, %dma_wait3A_130, %dma_wait3A_132, %dma_wait3A_133] : memref<4x4x8x768xf32, #tpu.memory_space<vmem>> -> memref<1x1x8x768xf32, #tpu.memory_space<vmem>>
    %dma_wait3A_135 = tpu.memref_squeeze %dma_wait3A_134 : memref<1x1x8x768xf32, #tpu.memory_space<vmem>> -> memref<8x768xf32, #tpu.memory_space<vmem>>
    %dma_wait3A_136 = arith.constant 0 : i32
    %dma_wait3A_137 = tpu.memref_slice %arg4[%add3A_92, %dma_wait3A_136] : memref<32768x768xf32, #tpu.memory_space<hbm>> -> memref<8x768xf32, #tpu.memory_space<hbm>>
    %dma_wait3A_138 = tpu.memref_slice %arg8[%dma_wait3A_131] : memref<4x!tpu.dma_semaphore, #tpu.memory_space<semaphore_mem>> -> memref<1x!tpu.dma_semaphore, #tpu.memory_space<semaphore_mem>>
    %dma_wait3A_139 = tpu.memref_squeeze %dma_wait3A_138 : memref<1x!tpu.dma_semaphore, #tpu.memory_space<semaphore_mem>> -> memref<!tpu.dma_semaphore, #tpu.memory_space<semaphore_mem>>
    %dma_wait3A_140 = arith.constant 0 : i32
    %dma_wait3A_141 = tpu.memref_slice %arg4[%add3A_92, %dma_wait3A_140] : memref<32768x768xf32, #tpu.memory_space<hbm>> -> memref<8x768xf32, #tpu.memory_space<hbm>>
    %dma_wait3A_142 = arith.constant 0 : i32
    %dma_wait3A_143 = arith.constant 0 : i32
    %dma_wait3A_144 = tpu.memref_slice %arg5[%dma_wait3A_129, %dma_wait3A_130, %dma_wait3A_142, %dma_wait3A_143] : memref<4x4x8x768xf32, #tpu.memory_space<vmem>> -> memref<1x1x8x768xf32, #tpu.memory_space<vmem>>
    %dma_wait3A_145 = tpu.memref_squeeze %dma_wait3A_144 : memref<1x1x8x768xf32, #tpu.memory_space<vmem>> -> memref<8x768xf32, #tpu.memory_space<vmem>>
    tpu.wait_dma2 semaphore(%dma_wait3A_139 : memref<!tpu.dma_semaphore, #tpu.memory_space<semaphore_mem>>) src(%dma_wait3A_145 : memref<8x768xf32, #tpu.memory_space<vmem>>) dst(%dma_wait3A_141 : memref<8x768xf32, #tpu.memory_space<hbm>>)
    %dma_wait3A_146 = arith.constant 2 : i32
    %dma_wait3A_147 = arith.constant 3 : i32
    %dma_wait3A_148 = arith.constant 2 : i32
    %dma_wait3A_149 = arith.constant 0 : i32
    %dma_wait3A_150 = arith.constant 0 : i32
    %dma_wait3A_151 = tpu.memref_slice %arg5[%dma_wait3A_146, %dma_wait3A_147, %dma_wait3A_149, %dma_wait3A_150] : memref<4x4x8x768xf32, #tpu.memory_space<vmem>> -> memref<1x1x8x768xf32, #tpu.memory_space<vmem>>
    %dma_wait3A_152 = tpu.memref_squeeze %dma_wait3A_151 : memref<1x1x8x768xf32, #tpu.memory_space<vmem>> -> memref<8x768xf32, #tpu.memory_space<vmem>>
    %dma_wait3A_153 = arith.constant 0 : i32
    %dma_wait3A_154 = tpu.memref_slice %arg4[%add3A_94, %dma_wait3A_153] : memref<32768x768xf32, #tpu.memory_space<hbm>> -> memref<8x768xf32, #tpu.memory_space<hbm>>
    %dma_wait3A_155 = tpu.memref_slice %arg8[%dma_wait3A_148] : memref<4x!tpu.dma_semaphore, #tpu.memory_space<semaphore_mem>> -> memref<1x!tpu.dma_semaphore, #tpu.memory_space<semaphore_mem>>
    %dma_wait3A_156 = tpu.memref_squeeze %dma_wait3A_155 : memref<1x!tpu.dma_semaphore, #tpu.memory_space<semaphore_mem>> -> memref<!tpu.dma_semaphore, #tpu.memory_space<semaphore_mem>>
    %dma_wait3A_157 = arith.constant 0 : i32
    %dma_wait3A_158 = tpu.memref_slice %arg4[%add3A_94, %dma_wait3A_157] : memref<32768x768xf32, #tpu.memory_space<hbm>> -> memref<8x768xf32, #tpu.memory_space<hbm>>
    %dma_wait3A_159 = arith.constant 0 : i32
    %dma_wait3A_160 = arith.constant 0 : i32
    %dma_wait3A_161 = tpu.memref_slice %arg5[%dma_wait3A_146, %dma_wait3A_147, %dma_wait3A_159, %dma_wait3A_160] : memref<4x4x8x768xf32, #tpu.memory_space<vmem>> -> memref<1x1x8x768xf32, #tpu.memory_space<vmem>>
    %dma_wait3A_162 = tpu.memref_squeeze %dma_wait3A_161 : memref<1x1x8x768xf32, #tpu.memory_space<vmem>> -> memref<8x768xf32, #tpu.memory_space<vmem>>
    tpu.wait_dma2 semaphore(%dma_wait3A_156 : memref<!tpu.dma_semaphore, #tpu.memory_space<semaphore_mem>>) src(%dma_wait3A_162 : memref<8x768xf32, #tpu.memory_space<vmem>>) dst(%dma_wait3A_158 : memref<8x768xf32, #tpu.memory_space<hbm>>)
    %add3A_163 = arith.constant 248 : i32
    %add3A_164 = arith.addi %mul3A_2, %add3A_163 : i32
    %add3A_165 = arith.constant 0 : i32
    %add3A_166 = arith.addi %add3A_165, %add3A_164 : i32
    %add3A_167 = arith.constant 8192 : i32
    %add3A_168 = arith.addi %add3A_167, %add3A_164 : i32
    %add3A_169 = arith.constant 16384 : i32
    %add3A_170 = arith.addi %add3A_169, %add3A_164 : i32
    %add3A_171 = arith.constant 24576 : i32
    %add3A_172 = arith.addi %add3A_171, %add3A_164 : i32
    %dma_wait3A_173 = arith.constant 3 : i32
    %dma_wait3A_174 = arith.constant 0 : i32
    %dma_wait3A_175 = arith.constant 3 : i32
    %dma_wait3A_176 = arith.constant 0 : i32
    %dma_wait3A_177 = arith.constant 0 : i32
    %dma_wait3A_178 = tpu.memref_slice %arg5[%dma_wait3A_173, %dma_wait3A_174, %dma_wait3A_176, %dma_wait3A_177] : memref<4x4x8x768xf32, #tpu.memory_space<vmem>> -> memref<1x1x8x768xf32, #tpu.memory_space<vmem>>
    %dma_wait3A_179 = tpu.memref_squeeze %dma_wait3A_178 : memref<1x1x8x768xf32, #tpu.memory_space<vmem>> -> memref<8x768xf32, #tpu.memory_space<vmem>>
    %dma_wait3A_180 = arith.constant 0 : i32
    %dma_wait3A_181 = tpu.memref_slice %arg4[%add3A_166, %dma_wait3A_180] : memref<32768x768xf32, #tpu.memory_space<hbm>> -> memref<8x768xf32, #tpu.memory_space<hbm>>
    %dma_wait3A_182 = tpu.memref_slice %arg8[%dma_wait3A_175] : memref<4x!tpu.dma_semaphore, #tpu.memory_space<semaphore_mem>> -> memref<1x!tpu.dma_semaphore, #tpu.memory_space<semaphore_mem>>
    %dma_wait3A_183 = tpu.memref_squeeze %dma_wait3A_182 : memref<1x!tpu.dma_semaphore, #tpu.memory_space<semaphore_mem>> -> memref<!tpu.dma_semaphore, #tpu.memory_space<semaphore_mem>>
    %dma_wait3A_184 = arith.constant 0 : i32
    %dma_wait3A_185 = tpu.memref_slice %arg4[%add3A_166, %dma_wait3A_184] : memref<32768x768xf32, #tpu.memory_space<hbm>> -> memref<8x768xf32, #tpu.memory_space<hbm>>
    %dma_wait3A_186 = arith.constant 0 : i32
    %dma_wait3A_187 = arith.constant 0 : i32
    %dma_wait3A_188 = tpu.memref_slice %arg5[%dma_wait3A_173, %dma_wait3A_174, %dma_wait3A_186, %dma_wait3A_187] : memref<4x4x8x768xf32, #tpu.memory_space<vmem>> -> memref<1x1x8x768xf32, #tpu.memory_space<vmem>>
    %dma_wait3A_189 = tpu.memref_squeeze %dma_wait3A_188 : memref<1x1x8x768xf32, #tpu.memory_space<vmem>> -> memref<8x768xf32, #tpu.memory_space<vmem>>
    tpu.wait_dma2 semaphore(%dma_wait3A_183 : memref<!tpu.dma_semaphore, #tpu.memory_space<semaphore_mem>>) src(%dma_wait3A_189 : memref<8x768xf32, #tpu.memory_space<vmem>>) dst(%dma_wait3A_185 : memref<8x768xf32, #tpu.memory_space<hbm>>)
    %dma_wait3A_190 = arith.constant 3 : i32
    %dma_wait3A_191 = arith.constant 1 : i32
    %dma_wait3A_192 = arith.constant 3 : i32
    %dma_wait3A_193 = arith.constant 0 : i32
    %dma_wait3A_194 = arith.constant 0 : i32
    %dma_wait3A_195 = tpu.memref_slice %arg5[%dma_wait3A_190, %dma_wait3A_191, %dma_wait3A_193, %dma_wait3A_194] : memref<4x4x8x768xf32, #tpu.memory_space<vmem>> -> memref<1x1x8x768xf32, #tpu.memory_space<vmem>>
    %dma_wait3A_196 = tpu.memref_squeeze %dma_wait3A_195 : memref<1x1x8x768xf32, #tpu.memory_space<vmem>> -> memref<8x768xf32, #tpu.memory_space<vmem>>
    %dma_wait3A_197 = arith.constant 0 : i32
    %dma_wait3A_198 = tpu.memref_slice %arg4[%add3A_168, %dma_wait3A_197] : memref<32768x768xf32, #tpu.memory_space<hbm>> -> memref<8x768xf32, #tpu.memory_space<hbm>>
    %dma_wait3A_199 = tpu.memref_slice %arg8[%dma_wait3A_192] : memref<4x!tpu.dma_semaphore, #tpu.memory_space<semaphore_mem>> -> memref<1x!tpu.dma_semaphore, #tpu.memory_space<semaphore_mem>>
    %dma_wait3A_200 = tpu.memref_squeeze %dma_wait3A_199 : memref<1x!tpu.dma_semaphore, #tpu.memory_space<semaphore_mem>> -> memref<!tpu.dma_semaphore, #tpu.memory_space<semaphore_mem>>
    %dma_wait3A_201 = arith.constant 0 : i32
    %dma_wait3A_202 = tpu.memref_slice %arg4[%add3A_168, %dma_wait3A_201] : memref<32768x768xf32, #tpu.memory_space<hbm>> -> memref<8x768xf32, #tpu.memory_space<hbm>>
    %dma_wait3A_203 = arith.constant 0 : i32
    %dma_wait3A_204 = arith.constant 0 : i32
    %dma_wait3A_205 = tpu.memref_slice %arg5[%dma_wait3A_190, %dma_wait3A_191, %dma_wait3A_203, %dma_wait3A_204] : memref<4x4x8x768xf32, #tpu.memory_space<vmem>> -> memref<1x1x8x768xf32, #tpu.memory_space<vmem>>
    %dma_wait3A_206 = tpu.memref_squeeze %dma_wait3A_205 : memref<1x1x8x768xf32, #tpu.memory_space<vmem>> -> memref<8x768xf32, #tpu.memory_space<vmem>>
    tpu.wait_dma2 semaphore(%dma_wait3A_200 : memref<!tpu.dma_semaphore, #tpu.memory_space<semaphore_mem>>) src(%dma_wait3A_206 : memref<8x768xf32, #tpu.memory_space<vmem>>) dst(%dma_wait3A_202 : memref<8x768xf32, #tpu.memory_space<hbm>>)
    %dma_wait3A_207 = arith.constant 3 : i32
    %dma_wait3A_208 = arith.constant 2 : i32
    %dma_wait3A_209 = arith.constant 3 : i32
    %dma_wait3A_210 = arith.constant 0 : i32
    %dma_wait3A_211 = arith.constant 0 : i32
    %dma_wait3A_212 = tpu.memref_slice %arg5[%dma_wait3A_207, %dma_wait3A_208, %dma_wait3A_210, %dma_wait3A_211] : memref<4x4x8x768xf32, #tpu.memory_space<vmem>> -> memref<1x1x8x768xf32, #tpu.memory_space<vmem>>
    %dma_wait3A_213 = tpu.memref_squeeze %dma_wait3A_212 : memref<1x1x8x768xf32, #tpu.memory_space<vmem>> -> memref<8x768xf32, #tpu.memory_space<vmem>>
    %dma_wait3A_214 = arith.constant 0 : i32
    %dma_wait3A_215 = tpu.memref_slice %arg4[%add3A_170, %dma_wait3A_214] : memref<32768x768xf32, #tpu.memory_space<hbm>> -> memref<8x768xf32, #tpu.memory_space<hbm>>
    %dma_wait3A_216 = tpu.memref_slice %arg8[%dma_wait3A_209] : memref<4x!tpu.dma_semaphore, #tpu.memory_space<semaphore_mem>> -> memref<1x!tpu.dma_semaphore, #tpu.memory_space<semaphore_mem>>
    %dma_wait3A_217 = tpu.memref_squeeze %dma_wait3A_216 : memref<1x!tpu.dma_semaphore, #tpu.memory_space<semaphore_mem>> -> memref<!tpu.dma_semaphore, #tpu.memory_space<semaphore_mem>>
    %dma_wait3A_218 = arith.constant 0 : i32
    %dma_wait3A_219 = tpu.memref_slice %arg4[%add3A_170, %dma_wait3A_218] : memref<32768x768xf32, #tpu.memory_space<hbm>> -> memref<8x768xf32, #tpu.memory_space<hbm>>
    %dma_wait3A_220 = arith.constant 0 : i32
    %dma_wait3A_221 = arith.constant 0 : i32
    %dma_wait3A_222 = tpu.memref_slice %arg5[%dma_wait3A_207, %dma_wait3A_208, %dma_wait3A_220, %dma_wait3A_221] : memref<4x4x8x768xf32, #tpu.memory_space<vmem>> -> memref<1x1x8x768xf32, #tpu.memory_space<vmem>>
    %dma_wait3A_223 = tpu.memref_squeeze %dma_wait3A_222 : memref<1x1x8x768xf32, #tpu.memory_space<vmem>> -> memref<8x768xf32, #tpu.memory_space<vmem>>
    tpu.wait_dma2 semaphore(%dma_wait3A_217 : memref<!tpu.dma_semaphore, #tpu.memory_space<semaphore_mem>>) src(%dma_wait3A_223 : memref<8x768xf32, #tpu.memory_space<vmem>>) dst(%dma_wait3A_219 : memref<8x768xf32, #tpu.memory_space<hbm>>)
    %dma_wait3A_224 = arith.constant 3 : i32
    %dma_wait3A_225 = arith.constant 3 : i32
    %dma_wait3A_226 = arith.constant 3 : i32
    %dma_wait3A_227 = arith.constant 0 : i32
    %dma_wait3A_228 = arith.constant 0 : i32
    %dma_wait3A_229 = tpu.memref_slice %arg5[%dma_wait3A_224, %dma_wait3A_225, %dma_wait3A_227, %dma_wait3A_228] : memref<4x4x8x768xf32, #tpu.memory_space<vmem>> -> memref<1x1x8x768xf32, #tpu.memory_space<vmem>>
    %dma_wait3A_230 = tpu.memref_squeeze %dma_wait3A_229 : memref<1x1x8x768xf32, #tpu.memory_space<vmem>> -> memref<8x768xf32, #tpu.memory_space<vmem>>
    %dma_wait3A_231 = arith.constant 0 : i32
    %dma_wait3A_232 = tpu.memref_slice %arg4[%add3A_172, %dma_wait3A_231] : memref<32768x768xf32, #tpu.memory_space<hbm>> -> memref<8x768xf32, #tpu.memory_space<hbm>>
    %dma_wait3A_233 = tpu.memref_slice %arg8[%dma_wait3A_226] : memref<4x!tpu.dma_semaphore, #tpu.memory_space<semaphore_mem>> -> memref<1x!tpu.dma_semaphore, #tpu.memory_space<semaphore_mem>>
    %dma_wait3A_234 = tpu.memref_squeeze %dma_wait3A_233 : memref<1x!tpu.dma_semaphore, #tpu.memory_space<semaphore_mem>> -> memref<!tpu.dma_semaphore, #tpu.memory_space<semaphore_mem>>
    %dma_wait3A_235 = arith.constant 0 : i32
    %dma_wait3A_236 = tpu.memref_slice %arg4[%add3A_172, %dma_wait3A_235] : memref<32768x768xf32, #tpu.memory_space<hbm>> -> memref<8x768xf32, #tpu.memory_space<hbm>>
    %dma_wait3A_237 = arith.constant 0 : i32
    %dma_wait3A_238 = arith.constant 0 : i32
    %dma_wait3A_239 = tpu.memref_slice %arg5[%dma_wait3A_224, %dma_wait3A_225, %dma_wait3A_237, %dma_wait3A_238] : memref<4x4x8x768xf32, #tpu.memory_space<vmem>> -> memref<1x1x8x768xf32, #tpu.memory_space<vmem>>
    %dma_wait3A_240 = tpu.memref_squeeze %dma_wait3A_239 : memref<1x1x8x768xf32, #tpu.memory_space<vmem>> -> memref<8x768xf32, #tpu.memory_space<vmem>>
    tpu.wait_dma2 semaphore(%dma_wait3A_234 : memref<!tpu.dma_semaphore, #tpu.memory_space<semaphore_mem>>) src(%dma_wait3A_240 : memref<8x768xf32, #tpu.memory_space<vmem>>) dst(%dma_wait3A_236 : memref<8x768xf32, #tpu.memory_space<hbm>>)
    return
  }
}

</mosaic_0001>

<sc_bundles>
// kernel: kernel.3.cloned.1.call-start
scs
__scs_entry_jumppad:
0x0: {  	(pc) =	sbr.rel $0x88, $3  }
0x1: {  	(tag) =	ssettag $0x0;
	lr =	simm.s32 $0x1  }
0x2: {  	[smem:$0x3F9F] =	sst lr;
	_ =	strace $0xD0000000  }
0x3: {  	_ = 	snop  }
0x4: {  	_ = 	snop  }
0x5: {  	_ = 	snop  }
0x6: {  	_ = 	snop  }
0x7: {  	_ = 	snop  }
__scs_overlays_trampoline_lowered:
0x8: {  	[smem:$0x3FAE] =	sst s0  }
0x9: {  	[smem:$0x3FAF] =	sst s1  }
0xa: {  	[smem:$0x3FB0] =	sst s2  }
0xb: {  	[smem:$0x3FB1] =	sst s3  }
0xc: {  	[smem:$0x3FB2] =	sst s4  }
0xd: {  	[smem:$0x3FB3] =	sst s5  }
0xe: {  	[smem:$0x3FB4] =	sst s6  }
0xf: {  	[smem:$0x3FB5] =	sst s7  }
0x10: {  	[smem:$0x3FB6] =	sst s8  }
0x11: {  	[smem:$0x3FB7] =	sst s9;
	s0 =	simm.s32 @!p0 $0x0  }
0x12: {  	s1 =	sld [smem:$0x3F9D];
	s0 =	simm.s32 @p0 $0x1  }
0x13: {  	[smem:$0x3FB8] =	sst s0;
	s0 =	simm.s32 @!p1 $0x0  }
0x14: {  	s2 =	sld [smem:$0x3F9C];
	s0 =	simm.s32 @p1 $0x1  }
0x15: {  	[smem:$0x3FB9] =	sst s0;
	s0 =	simm.s32 @!p2 $0x0  }
0x16: {  	s3 =	sld [smem:$0x3FDB];
	s0 =	simm.s32 @p2 $0x1  }
0x17: {  	s4 =	simm.s32 $0x1BF5;
	[smem:$0x3FBB] =	sst s0  }
0x18: {  	s0 =	sld [smem:$0x3F9E];
	_ =	swait.ge [sflag:s4], $0x0  }
0x19: {  	s7 =	sld [smem:$0x3F9F]  }
0x1a: {  	s8 =	sadd.s32 $0xFFFFE003, lr  }
0x1b: {  	s9 =	sadd.s32 $0xFFFFFEF7, lr;
	s5 =	simm.s32 $0xFFFFFFFF;
	p2 =	slt.u32 s8, $0xFFFFF086  }
0x1c: {  	p1 =	slt.u32 s9, $0xF7A;
	s5 =	simm.s32 @!p2 $0x0  }
0x1d: {  	s5 =	simm.s32 @p1 $0x1;
	p0 =	seq.s32 s7, s2  }
0x1e: {  	s7 =	smul.u32 @!p0 $0xF7A, s2;
	p2 =	seq.s32 @!p0 s5, $0x0  }
0x1f: {  	s9 =	smul.u32 $0xF7A, s1;
	s8 =	simm.s32 @!p0 $0x1BF5;
	p2 =	por !p2, p0  }
0x20: {  	[sflag:s8] =	ssyncset.s32 @!p0 $0xFFFFF086;
	s6 =	sadd.s32 @!p0 s3, s7;
	s7 =	simm.s32 @!p0 $0x108  }
0x21: {  	s3 =	sadd.s32 s3, s9;
	s6 =	sadd.s32 @!p0 $0x88, s6;
	s7 =	simm.s32 @p2 $0x1082  }
0x22: {  	[simem:s7], [sflag:s8] =	dma.local @!p0 [hbm:s6], $0xF7A  }
0x23: {  	s9 =	sor.u32 $0xD0000000, s2;
	s6 =	simm.s32 $0x108;
	_ =	swait.ge @!p0 [sflag:s8], $0x0  }
0x24: {  	s3 =	sadd.s32 $0x88, s3;
	s6 =	simm.s32 @!p1 $0x1082;
	[sflag:s4] =	ssyncset.s32 $0xFFFFF086  }
0x25: {  	[simem:s6], [sflag:s4] =	dma.local [hbm:s3], $0xF7A  }
0x26: {  	[smem:$0x3F9F] =	sst s1;
	(tag) =	ssettag s2;
	_ =	strace s9  }
0x27: {  	s1 =	sld [smem:$0x3FAF]  }
0x28: {  	s2 =	sld [smem:$0x3FB0]  }
0x29: {  	s4 =	sld [smem:$0x3FB2]  }
0x2a: {  	p0 =	seq.s32 s5, $0x0;
	s5 =	sld [smem:$0x3FB3]  }
0x2b: {  	s6 =	sld [smem:$0x3FB4]  }
0x2c: {  	s7 =	sld [smem:$0x3FB5]  }
0x2d: {  	s3 =	simm.s32 $0x108;
	s8 =	sld [smem:$0x3FB6]  }
0x2e: {  	s3 =	simm.s32 @!p0 $0x1082;
	s9 =	sld [smem:$0x3FB7]  }
0x2f: {  	lr =	sadd.s32 s0, s3;
	s0 =	sld [smem:$0x3FAE]  }
0x30: {  	s3 =	sld [smem:$0x3FB1]  }
0x31: {  	[smem:$0x3FBA] =	sst s10  }
0x32: {  	s10 =	sld [smem:$0x3FB8];
	_ =	sdelay $0x3  }
0x33: {  	p0 =	seq.s32 s10, $0x1;
	s10 =	sld [smem:$0x3FBA];
	_ =	sdelay $0x3  }
0x34: {  	[smem:$0x3FBA] =	sst s10  }
0x35: {  	s10 =	sld [smem:$0x3FB9];
	_ =	sdelay $0x3  }
0x36: {  	p1 =	seq.s32 s10, $0x1;
	s10 =	sld [smem:$0x3FBA];
	_ =	sdelay $0x3  }
0x37: {  	[smem:$0x3FBA] =	sst s10  }
0x38: {  	s10 =	sld [smem:$0x3FBB]  }
0x39: {  	_ = 	snop;
	(pc) =	sbr.ind lr, $3  }
0x3a: {  	_ = 	snop  }
0x3b: {  	_ = 	snop  }
0x3c: {  	p2 =	seq.s32 s10, $0x1;
	s10 =	sld [smem:$0x3FBA]  }
0x3d: {  	_ =	shalt  }
0x3e: {  	_ =	shalt  }
0x3f: {  	_ =	shalt  }
0x40: {  	_ =	shalt  }
0x41: {  	_ =	shalt  }
0x42: {  	_ =	shalt  }
0x43: {  	_ =	shalt  }
0x44: {  	_ =	shalt  }
0x45: {  	_ =	shalt  }
0x46: {  	_ =	shalt  }
0x47: {  	_ =	shalt  }
0x48: {  	_ =	shalt  }
0x49: {  	_ =	shalt  }
0x4a: {  	_ =	shalt  }
0x4b: {  	_ =	shalt  }
0x4c: {  	_ =	shalt  }
0x4d: {  	_ =	shalt  }
0x4e: {  	_ =	shalt  }
0x4f: {  	_ =	shalt  }
0x50: {  	_ =	shalt  }
0x51: {  	_ =	shalt  }
0x52: {  	_ =	shalt  }
0x53: {  	_ =	shalt  }
0x54: {  	_ =	shalt  }
0x55: {  	_ =	shalt  }
0x56: {  	_ =	shalt  }
0x57: {  	_ =	shalt  }
0x58: {  	_ =	shalt  }
0x59: {  	_ =	shalt  }
0x5a: {  	_ =	shalt  }
0x5b: {  	_ =	shalt  }
0x5c: {  	_ =	shalt  }
0x5d: {  	_ =	shalt  }
0x5e: {  	_ =	shalt  }
0x5f: {  	_ =	shalt  }
0x60: {  	_ =	shalt  }
0x61: {  	_ =	shalt  }
0x62: {  	_ =	shalt  }
0x63: {  	_ =	shalt  }
0x64: {  	_ =	shalt  }
0x65: {  	_ =	shalt  }
0x66: {  	_ =	shalt  }
0x67: {  	_ =	shalt  }
0x68: {  	_ =	shalt  }
0x69: {  	_ =	shalt  }
0x6a: {  	_ =	shalt  }
0x6b: {  	_ =	shalt  }
0x6c: {  	_ =	shalt  }
0x6d: {  	_ =	shalt  }
0x6e: {  	_ =	shalt  }
0x6f: {  	_ =	shalt  }
0x70: {  	_ =	shalt  }
0x71: {  	_ =	shalt  }
0x72: {  	_ =	shalt  }
0x73: {  	_ =	shalt  }
0x74: {  	_ =	shalt  }
0x75: {  	_ =	shalt  }
0x76: {  	_ =	shalt  }
0x77: {  	_ =	shalt  }
0x78: {  	_ =	shalt  }
0x79: {  	_ =	shalt  }
0x7a: {  	_ =	shalt  }
0x7b: {  	_ =	shalt  }
0x7c: {  	_ =	shalt  }
0x7d: {  	_ =	shalt  }
0x7e: {  	_ =	shalt  }
0x7f: {  	_ =	shalt  }
0x80: {  	_ =	shalt  }
0x81: {  	_ =	shalt  }
0x82: {  	_ =	shalt  }
0x83: {  	_ =	shalt  }
0x84: {  	_ =	shalt  }
0x85: {  	_ =	shalt  }
0x86: {  	_ =	shalt  }
0x87: {  	_ =	shalt  }
.Lfunc_end0:
.L_simem_size_0:
called_computation_lowered:
.L_overlay_start_0:
0x88: {  	s2 =	sld [smem:$0x3FD9]  }
0x89: {  	s3 =	sld [smem:$0x3FFE];
	_ =	sdelay $0x1  }
0x8a: {  	s1 =	srdreg.scid  }
0x8b: {  	s0 =	sand.u32 $0x1, s1  }
0x8c: {  	s18 =	sshll.u32 s0, $0xA;
	s2 =	sadd.s32 s3, s2  }
0x8d: {  	s2 =	sadd.s32 s2, s18  }
0x8e: {  	[smem:$0x3FC6] =	sst s2  }
0x8f: {  	_ = 	snop  }
0x90: {  	s2 =	sld [smem:$0x3FD0];
	(tm) =	ssettm $0x1  }
0x91: {  	s19 =	sld [smem:$0x3FFB];
	_ =	sdelay $0x3  }
0x92: {  	_ =	strace s19  }
0x93: {  	s3 =	sld [smem:$0x3FFC];
	_ =	sdelay $0x3  }
0x94: {  	_ =	strace s3  }
0x95: {  	s3 =	sld [smem:$0x3FFD];
	_ =	sdelay $0x3  }
0x96: {  	_ =	strace s3  }
0x97: {  	_ =	strace $0x8FFFFFFF  }
0x98: {  	s20 =	sld [smem:$0x3FDB];
	_ =	sdelay $0x1  }
0x99: {  	s4 =	simm.s32 $_scs_section_size  }
0x9a: {  	s5 =	simm.s32 $_size__tile_overlayer_lowered;
	s6 =	simm.s32 $_tile_overlayer_lowered  }
0x9b: {  	s23 =	simm.s32 $0x1BFF;
	s22 =	sshll.u32 s6, $0x1;
	s3 =	sadd.s32 s4, s20  }
0x9c: {  	s7 =	simm.s32 $0x0;
	s21 =	sshll.u32 s5, $0x1;
	s5 =	sadd.s32 s22, s3  }
0x9d: {  	[timem:s7], [sflag:s23] =	dma.local [hbm:s5], s21  }
0x9e: {  	_ =	swait.ge [sflag:s23], s21  }
0x9f: {  	s4 =	ssub.s32 $0x0, s21;
	[sflag:s23] =	ssyncset.done $0x0  }
0xa0: {  	[sflag:s23] =	ssyncadd.s32 s4;
	_ =	sdelay $0x1  }
0xa1: {  	s24 =	simm.s32 $0x1B8B  }
0xa2: {  	_ =	swait.ge [sflag:s24], $0x1  }
0xa3: {  	[sflag:s24] =	ssyncset.done $0x0  }
0xa4: {  	s25 =	simm.s32 $0x1B8E;
	[sflag:s24] =	ssyncadd.s32 $0xFFFFFFFF  }
0xa5: {  	s26 =	simm.s32 $execute0_lowered;
	[smem:$0x3FD2] =	sst s25  }
0xa6: {  	s4 =	sshll.u32 s26, $0x1;
	_ =	strace $0x80000046;
	[dreg:$0x1] =	wrdreg $0xFFFFFFFF  }
0xa7: {  	s28 =	simm.s32 $_size_execute0_lowered;
	s3 =	sadd.s32 s3, s4;
	[dreg:$0x0] =	wrdreg $0x0  }
0xa8: {  	s4 =	sshll.u32 s28, $0x1;
	[dreg:$0x2] =	wrdreg s3  }
0xa9: {  	[dreg:$0x3] =	wrdreg s4  }
0xaa: {  	[dreg:$0x4] =	wrdreg $0xC0  }
0xab: {  	_ =	task [dreg:s7], $0x5FFFF  }
0xac: {  	[dreg:$0x1] =	wrdreg $0xFFFFFFFF  }
0xad: {  	[dreg:$0x0] =	wrdreg $0x60  }
0xae: {  	[dreg:$0x2] =	wrdreg s2  }
0xaf: {  	[dreg:$0x3] =	wrdreg $0x9  }
0xb0: {  	_ =	task.clear_ibuf [dreg:s7], $0x4FFFF;
	_ =	strace $0x90000046  }
0xb1: {  	s29 =	simm.s32 $0x9;
	_ =	strace $0x80000048  }
0xb2: {  	_ =	swait.ge [sflag:s29], $0x1  }
0xb3: {  	[sflag:s29] =	ssyncadd.s32 $0xFFFFFFFF  }
0xb4: {  	_ =	strace $0x90000048  }
0xb5: {  	_ =	sfence  }
0xb6: {  	s30 =	sld [smem:$0x0];
	_ =	sdelay $0x2  }
0xb7: {  	s31 =	sshll.u32 s1, $0xD;
	s1 =	sshrl.u32 s1, $0x2  }
0xb8: {  	s3 =	sand.u32 $0x4000, s31;
	s1 =	sadd.s32 s1, s30  }
0xb9: {  	s0 =	sor.u32 s3, s0;
	s1 =	sshll.u32 s1, $0x11  }
0xba: {  	s0 =	sor.u32 s1, s0  }
0xbb: {  	s0 =	sadd.s32 $0x8F2B, s0  }
0xbc: {  	[sflag:s0] =	ssyncadd.remote.s32 $0x1  }
0xbd: {  	_ =	sfence.sel $0xFFFF  }
0xbe: {  	[dreg:$0x0] =	wrdreg $0xFFFFFFFF;
	(pc) =	sbr.abs _section_cstart, $3  }
0xbf: {  	[dreg:$0x1] =	wrdreg $0xFFFFFFFF  }
0xc0: {  	_ =	task.clear_ibuf [dreg:s7], $0x2FFFF;
	_ =	strace $0x9FFFFFFF  }
0xc1: {  	(tm) =	ssettm $0x7FFFFFFF  }
tec
execute0_lowered:
.L_overlay_start_1:
0x0: {  	(tag) =	ssettag $0x1  }
0x1: {  	s1 =	srdreg.scid  }
0x2: {  	s0 =	stileid.u32;
	s4 =	rddreg [dreg:$0x0];
	s26 =	simm.s32 $0x1800  }
0x3: {  	s28 =	simm.s32 $0x3000;
	s30 =	simm.s32 $0x4800;
	s31 =	simm.s32 $0x6000  }
0x4: {  	s6 =	simm.s32 $0xA800;
	s7 =	simm.s32 $0xC000;
	s8 =	simm.s32 $0xD800  }
0x5: {  	s9 =	simm.s32 $0xF000;
	s10 =	simm.s32 $0x10800;
	s11 =	simm.s32 $0x1  }
0x6: {  	s12 =	simm.s32 $0x12000;
	s13 =	simm.s32 $0x13800;
	s3 =	sand.u32 $0x1, s1  }
0x7: {  	s14 =	simm.s32 $0x15000;
	s25 =	sshll.u32 s0, $0x9;
	s2 =	sshll.u32 s3, $0x8  }
0x8: {  	s15 =	simm.s32 $0x16800;
	s16 =	simm.s32 $0x2;
	s1 =	sor.u32 s2, s25  }
0x9: {  	s2 =	simm.s32 $0x0;
	s5 =	sshrl.u32 s1, $0x3;
	s1 =	rddreg [dreg:$0x1]  }
0xa: {  	s17 =	simm.s32 $0x3;
	s18 =	simm.s32 $0x4;
	[smem:$0x7FF] =	sst s2  }
0xb: {  	s3 =	ssub.s32 $0x2, s3;
	_ =	strace $0x80000047;
	[dreg:$0x3] =	wrdreg s26  }
0xc: {  	s29 =	sshrl.u32 s3, $0x1;
	s5 =	smul.u32 $0x300, s5;
	[dreg:$0x4] =	wrdreg s28  }
0xd: {  	s19 =	simm.s32 $0x0;
	s3 =	ssub.s32 s3, s29;
	[dreg:$0x5] =	wrdreg s30  }
0xe: {  	s3 =	smax.u32 s3, $0x1;
	[dreg:$0x6] =	wrdreg s31;
	s4 =	sadd.s32 s5, s4  }
0xf: {  	s5 =	simm.s32 $0x9000;
	[dreg:$0x2] =	wrdreg s4;
	s4 =	simm.s32 $0x7800  }
.LBB2_1:
0x10: {  	p0 =	por $0x1, $0x1  }
0x11: {  	p0 =	por p0, p0  }
0x12: {  	s20 =	simm.s32 @!p0 $0x2  }
0x13: {  	_ =	swait.ge @!p0 [sflag:s20], $0x1800  }
0x14: {  	[sflag:s20] =	ssyncset.done @!p0 $0x0  }
0x15: {  	[sflag:s20] =	ssyncadd.s32 @!p0 $0xFFFFE800  }
0x16: {  	_ =	swait.ge @!p0 [sflag:s20], $0x1800  }
0x17: {  	[sflag:s20] =	ssyncset.done @!p0 $0x0  }
0x18: {  	[sflag:s20] =	ssyncadd.s32 @!p0 $0xFFFFE800  }
0x19: {  	_ =	swait.ge @!p0 [sflag:s20], $0x1800  }
0x1a: {  	[sflag:s20] =	ssyncset.done @!p0 $0x0  }
0x1b: {  	[sflag:s20] =	ssyncadd.s32 @!p0 $0xFFFFE800  }
0x1c: {  	_ =	swait.ge @!p0 [sflag:s20], $0x1800  }
0x1d: {  	s21 =	rddreg [dreg:$0x2];
	[sflag:s20] =	ssyncset.done @!p0 $0x0  }
0x1e: {  	[sflag:s20] =	ssyncadd.s32 @!p0 $0xFFFFE800;
	s22 =	sadd.s32 $0x0, s21  }
0x1f: {  	[hbm4b:s22+s2] =	stream.linear.scatter [tilespmem:s2], [sflag:$0x1], $0x1800, $0x38;
	[tilespmem:$0x18000] =	vst v63  }
0x20: {  	s24 =	rddreg [dreg:$0x3];
	s21 =	sadd.s32 $0xC0000, s22  }
0x21: {  	[hbm4b:s21+s2] =	stream.linear.scatter [tilespmem:s24], [sflag:$0x1], $0x1800, $0x38;
	[tilespmem:$0x18000] =	vst v63  }
0x22: {  	s23 =	rddreg [dreg:$0x4];
	s25 =	sadd.s32 $0x180000, s22  }
0x23: {  	[hbm4b:s25+s2] =	stream.linear.scatter [tilespmem:s23], [sflag:$0x1], $0x1800, $0x38;
	[tilespmem:$0x18000] =	vst v63  }
0x24: {  	s26 =	rddreg [dreg:$0x5];
	s28 =	sadd.s32 $0x240000, s22;
	s23 =	simm.s32 @!p0 $0x3  }
0x25: {  	[hbm4b:s28+s2] =	stream.linear.scatter [tilespmem:s26], [sflag:$0x1], $0x1800, $0x38;
	[tilespmem:$0x18000] =	vst v63  }
0x26: {  	_ =	swait.ge @!p0 [sflag:s23], $0x1800  }
0x27: {  	[sflag:s23] =	ssyncset.done @!p0 $0x0  }
0x28: {  	[sflag:s23] =	ssyncadd.s32 @!p0 $0xFFFFE800  }
0x29: {  	_ =	swait.ge @!p0 [sflag:s23], $0x1800  }
0x2a: {  	[sflag:s23] =	ssyncset.done @!p0 $0x0  }
0x2b: {  	[sflag:s23] =	ssyncadd.s32 @!p0 $0xFFFFE800  }
0x2c: {  	_ =	swait.ge @!p0 [sflag:s23], $0x1800  }
0x2d: {  	[sflag:s23] =	ssyncset.done @!p0 $0x0  }
0x2e: {  	[sflag:s23] =	ssyncadd.s32 @!p0 $0xFFFFE800  }
0x2f: {  	_ =	swait.ge @!p0 [sflag:s23], $0x1800  }
0x30: {  	[sflag:s23] =	ssyncset.done @!p0 $0x0  }
0x31: {  	s30 =	sadd.s32 $0x300, s22;
	s29 =	rddreg [dreg:$0x6];
	[sflag:s23] =	ssyncadd.s32 @!p0 $0xFFFFE800  }
0x32: {  	[hbm4b:s30+s2] =	stream.linear.scatter [tilespmem:s29], [sflag:$0x2], $0x1800, $0x38;
	[tilespmem:$0x18000] =	vst v63  }
0x33: {  	s31 =	sadd.s32 $0xC0300, s22  }
0x34: {  	[hbm4b:s31+s2] =	stream.linear.scatter [tilespmem:s4], [sflag:$0x2], $0x1800, $0x38;
	[tilespmem:$0x18000] =	vst v63  }
0x35: {  	s21 =	sadd.s32 $0x180300, s22  }
0x36: {  	[hbm4b:s21+s2] =	stream.linear.scatter [tilespmem:s5], [sflag:$0x2], $0x1800, $0x38;
	[tilespmem:$0x18000] =	vst v63  }
0x37: {  	s23 =	sadd.s32 $0x240300, s22;
	s21 =	simm.s32 @!p0 $0x4  }
0x38: {  	[hbm4b:s23+s2] =	stream.linear.scatter [tilespmem:s6], [sflag:$0x2], $0x1800, $0x38;
	[tilespmem:$0x18000] =	vst v63  }
0x39: {  	_ =	swait.ge @!p0 [sflag:s21], $0x1800  }
0x3a: {  	[sflag:s21] =	ssyncset.done @!p0 $0x0  }
0x3b: {  	[sflag:s21] =	ssyncadd.s32 @!p0 $0xFFFFE800  }
0x3c: {  	_ =	swait.ge @!p0 [sflag:s21], $0x1800  }
0x3d: {  	[sflag:s21] =	ssyncset.done @!p0 $0x0  }
0x3e: {  	[sflag:s21] =	ssyncadd.s32 @!p0 $0xFFFFE800  }
0x3f: {  	_ =	swait.ge @!p0 [sflag:s21], $0x1800  }
0x40: {  	[sflag:s21] =	ssyncset.done @!p0 $0x0  }
0x41: {  	[sflag:s21] =	ssyncadd.s32 @!p0 $0xFFFFE800  }
0x42: {  	_ =	swait.ge @!p0 [sflag:s21], $0x1800  }
0x43: {  	[sflag:s21] =	ssyncset.done @!p0 $0x0  }
0x44: {  	s24 =	sadd.s32 $0x600, s22;
	[sflag:s21] =	ssyncadd.s32 @!p0 $0xFFFFE800  }
0x45: {  	[hbm4b:s24+s2] =	stream.linear.scatter [tilespmem:s7], [sflag:$0x3], $0x1800, $0x38;
	[tilespmem:$0x18000] =	vst v63  }
0x46: {  	s25 =	sadd.s32 $0xC0600, s22  }
0x47: {  	[hbm4b:s25+s2] =	stream.linear.scatter [tilespmem:s8], [sflag:$0x3], $0x1800, $0x38;
	[tilespmem:$0x18000] =	vst v63  }
0x48: {  	s26 =	sadd.s32 $0x180600, s22  }
0x49: {  	[hbm4b:s26+s2] =	stream.linear.scatter [tilespmem:s9], [sflag:$0x3], $0x1800, $0x38;
	[tilespmem:$0x18000] =	vst v63  }
0x4a: {  	s28 =	sadd.s32 $0x240600, s22  }
0x4b: {  	[hbm4b:s28+s2] =	stream.linear.scatter [tilespmem:s10], [sflag:$0x3], $0x1800, $0x38;
	[tilespmem:$0x18000] =	vst v63  }
0x4c: {  	_ =	swait.ge [sflag:s11], $0x1800  }
0x4d: {  	[sflag:s11] =	ssyncset.done $0x0  }
0x4e: {  	[sflag:s11] =	ssyncadd.s32 $0xFFFFE800  }
0x4f: {  	_ =	swait.ge [sflag:s11], $0x1800  }
0x50: {  	[sflag:s11] =	ssyncset.done $0x0  }
0x51: {  	[sflag:s11] =	ssyncadd.s32 $0xFFFFE800  }
0x52: {  	_ =	swait.ge [sflag:s11], $0x1800  }
0x53: {  	[sflag:s11] =	ssyncset.done $0x0  }
0x54: {  	[sflag:s11] =	ssyncadd.s32 $0xFFFFE800  }
0x55: {  	_ =	swait.ge [sflag:s11], $0x1800  }
0x56: {  	[sflag:s11] =	ssyncset.done $0x0  }
0x57: {  	p6 =	por $0x0, $0x0;
	s29 =	sadd.s32 $0x900, s22;
	[sflag:s11] =	ssyncadd.s32 $0xFFFFE800  }
0x58: {  	[hbm4b:s29+s2] =	stream.linear.scatter [tilespmem:s12], [sflag:$0x4], $0x1800, $0x38;
	[tilespmem:$0x18000] =	vst v63  }
0x59: {  	s20 =	simm.s32 $0xC00;
	s30 =	sadd.s32 $0xC0900, s22;
	s31 =	sadd.s32 $0x180900, s22  }
0x5a: {  	[hbm4b:s30+s2] =	stream.linear.scatter [tilespmem:s13], [sflag:$0x4], $0x1800, $0x38;
	[tilespmem:$0x18000] =	vst v63  }
0x5b: {  	s22 =	sadd.s32 $0x240900, s22;
	s21 =	simm.s32 $0x1800;
	p0 =	por p6, p6  }
0x5c: {  	[hbm4b:s31+s2] =	stream.linear.scatter [tilespmem:s14], [sflag:$0x4], $0x1800, $0x38;
	[tilespmem:$0x18000] =	vst v63  }
.LBB2_2:
0x5d: {  	[hbm4b:s22+s2] =	stream.linear.scatter [tilespmem:s15], [sflag:$0x4], $0x1800, $0x38;
	[tilespmem:$0x18000] =	vst v63  }
0x5e: {  	s22 =	simm.s32 @!p0 $0x2  }
0x5f: {  	_ =	swait.ge @!p0 [sflag:s22], $0x1800  }
0x60: {  	[sflag:s22] =	ssyncset.done @!p0 $0x0  }
0x61: {  	[sflag:s22] =	ssyncadd.s32 @!p0 $0xFFFFE800  }
0x62: {  	_ =	swait.ge @!p0 [sflag:s22], $0x1800  }
0x63: {  	[sflag:s22] =	ssyncset.done @!p0 $0x0  }
0x64: {  	[sflag:s22] =	ssyncadd.s32 @!p0 $0xFFFFE800  }
0x65: {  	_ =	swait.ge @!p0 [sflag:s22], $0x1800  }
0x66: {  	[sflag:s22] =	ssyncset.done @!p0 $0x0  }
0x67: {  	[sflag:s22] =	ssyncadd.s32 @!p0 $0xFFFFE800  }
0x68: {  	_ =	swait.ge @!p0 [sflag:s22], $0x1800  }
0x69: {  	s24 =	rddreg [dreg:$0x2];
	[sflag:s22] =	ssyncset.done @!p0 $0x0  }
0x6a: {  	[sflag:s22] =	ssyncadd.s32 @!p0 $0xFFFFE800;
	s22 =	sadd.s32 s20, s24  }
0x6b: {  	[hbm4b:s22+s2] =	stream.linear.scatter [tilespmem:s2], [sflag:$0x1], $0x1800, $0x38;
	[tilespmem:$0x18000] =	vst v63  }
0x6c: {  	s28 =	rddreg [dreg:$0x3];
	s25 =	sadd.s32 $0xC0000, s22  }
0x6d: {  	[hbm4b:s25+s2] =	stream.linear.scatter [tilespmem:s28], [sflag:$0x1], $0x1800, $0x38;
	[tilespmem:$0x18000] =	vst v63  }
0x6e: {  	s26 =	rddreg [dreg:$0x4];
	s29 =	sadd.s32 $0x180000, s22  }
0x6f: {  	[hbm4b:s29+s2] =	stream.linear.scatter [tilespmem:s26], [sflag:$0x1], $0x1800, $0x38;
	[tilespmem:$0x18000] =	vst v63  }
0x70: {  	s30 =	rddreg [dreg:$0x5];
	s31 =	sadd.s32 $0x240000, s22;
	s25 =	simm.s32 @!p0 $0x3  }
0x71: {  	[hbm4b:s31+s2] =	stream.linear.scatter [tilespmem:s30], [sflag:$0x1], $0x1800, $0x38;
	[tilespmem:$0x18000] =	vst v63  }
0x72: {  	_ =	swait.ge @!p0 [sflag:s25], $0x1800  }
0x73: {  	[sflag:s25] =	ssyncset.done @!p0 $0x0  }
0x74: {  	[sflag:s25] =	ssyncadd.s32 @!p0 $0xFFFFE800  }
0x75: {  	_ =	swait.ge @!p0 [sflag:s25], $0x1800  }
0x76: {  	[sflag:s25] =	ssyncset.done @!p0 $0x0  }
0x77: {  	[sflag:s25] =	ssyncadd.s32 @!p0 $0xFFFFE800  }
0x78: {  	_ =	swait.ge @!p0 [sflag:s25], $0x1800  }
0x79: {  	[sflag:s25] =	ssyncset.done @!p0 $0x0  }
0x7a: {  	[sflag:s25] =	ssyncadd.s32 @!p0 $0xFFFFE800  }
0x7b: {  	_ =	swait.ge @!p0 [sflag:s25], $0x1800  }
0x7c: {  	[sflag:s25] =	ssyncset.done @!p0 $0x0  }
0x7d: {  	s28 =	sadd.s32 $0x300, s22;
	s26 =	rddreg [dreg:$0x6];
	[sflag:s25] =	ssyncadd.s32 @!p0 $0xFFFFE800  }
0x7e: {  	[hbm4b:s28+s2] =	stream.linear.scatter [tilespmem:s26], [sflag:$0x2], $0x1800, $0x38;
	[tilespmem:$0x18000] =	vst v63  }
0x7f: {  	s29 =	sadd.s32 $0xC0300, s22  }
0x80: {  	[hbm4b:s29+s2] =	stream.linear.scatter [tilespmem:s4], [sflag:$0x2], $0x1800, $0x38;
	[tilespmem:$0x18000] =	vst v63  }
0x81: {  	s30 =	sadd.s32 $0x180300, s22  }
0x82: {  	[hbm4b:s30+s2] =	stream.linear.scatter [tilespmem:s5], [sflag:$0x2], $0x1800, $0x38;
	[tilespmem:$0x18000] =	vst v63  }
0x83: {  	s24 =	simm.s32 @!p0 $0x4;
	s31 =	sadd.s32 $0x240300, s22  }
0x84: {  	[hbm4b:s31+s2] =	stream.linear.scatter [tilespmem:s6], [sflag:$0x2], $0x1800, $0x38;
	[tilespmem:$0x18000] =	vst v63  }
0x85: {  	_ =	swait.ge @!p0 [sflag:s24], $0x1800  }
0x86: {  	[sflag:s24] =	ssyncset.done @!p0 $0x0  }
0x87: {  	[sflag:s24] =	ssyncadd.s32 @!p0 $0xFFFFE800  }
0x88: {  	_ =	swait.ge @!p0 [sflag:s24], $0x1800  }
0x89: {  	[sflag:s24] =	ssyncset.done @!p0 $0x0  }
0x8a: {  	[sflag:s24] =	ssyncadd.s32 @!p0 $0xFFFFE800  }
0x8b: {  	_ =	swait.ge @!p0 [sflag:s24], $0x1800  }
0x8c: {  	[sflag:s24] =	ssyncset.done @!p0 $0x0  }
0x8d: {  	[sflag:s24] =	ssyncadd.s32 @!p0 $0xFFFFE800  }
0x8e: {  	_ =	swait.ge @!p0 [sflag:s24], $0x1800  }
0x8f: {  	[sflag:s24] =	ssyncset.done @!p0 $0x0  }
0x90: {  	[sflag:s24] =	ssyncadd.s32 @!p0 $0xFFFFE800;
	s24 =	sadd.s32 $0x600, s22  }
0x91: {  	[hbm4b:s24+s2] =	stream.linear.scatter [tilespmem:s7], [sflag:$0x3], $0x1800, $0x38;
	[tilespmem:$0x18000] =	vst v63  }
0x92: {  	s25 =	sadd.s32 $0xC0600, s22  }
0x93: {  	[hbm4b:s25+s2] =	stream.linear.scatter [tilespmem:s8], [sflag:$0x3], $0x1800, $0x38;
	[tilespmem:$0x18000] =	vst v63  }
0x94: {  	s26 =	sadd.s32 $0x180600, s22  }
0x95: {  	[hbm4b:s26+s2] =	stream.linear.scatter [tilespmem:s9], [sflag:$0x3], $0x1800, $0x38;
	[tilespmem:$0x18000] =	vst v63  }
0x96: {  	s28 =	sadd.s32 $0x240600, s22  }
0x97: {  	[hbm4b:s28+s2] =	stream.linear.scatter [tilespmem:s10], [sflag:$0x3], $0x1800, $0x38;
	[tilespmem:$0x18000] =	vst v63  }
0x98: {  	_ =	swait.ge [sflag:s11], $0x1800  }
0x99: {  	[sflag:s11] =	ssyncset.done $0x0  }
0x9a: {  	[sflag:s11] =	ssyncadd.s32 $0xFFFFE800  }
0x9b: {  	_ =	swait.ge [sflag:s11], $0x1800  }
0x9c: {  	[sflag:s11] =	ssyncset.done $0x0  }
0x9d: {  	[sflag:s11] =	ssyncadd.s32 $0xFFFFE800  }
0x9e: {  	_ =	swait.ge [sflag:s11], $0x1800  }
0x9f: {  	[sflag:s11] =	ssyncset.done $0x0  }
0xa0: {  	[sflag:s11] =	ssyncadd.s32 $0xFFFFE800  }
0xa1: {  	_ =	swait.ge [sflag:s11], $0x1800  }
0xa2: {  	s23 =	smov.u32 s21;
	s21 =	sadd.s32 $0xC00, s21;
	[sflag:s11] =	ssyncset.done $0x0  }
0xa3: {  	p1 =	sne.s32 s21, $0x6000;
	s29 =	sadd.s32 $0x900, s22;
	[sflag:s11] =	ssyncadd.s32 $0xFFFFE800  }
0xa4: {  	[hbm4b:s29+s2] =	stream.linear.scatter [tilespmem:s12], [sflag:$0x4], $0x1800, $0x38;
	[tilespmem:$0x18000] =	vst v63  }
.Ltmp0:
0xa5: {  	_ = 	snop;
	(pc) =	sbr.rel @p1 .LBB2_2-.Ltmp0, $4  }
0xa6: {  	p2 =	seq.s32 s23, $0x0;
	s20 =	smov.u32 s23;
	s30 =	sadd.s32 $0xC0900, s22  }
0xa7: {  	[hbm4b:s30+s2] =	stream.linear.scatter [tilespmem:s13], [sflag:$0x4], $0x1800, $0x38;
	[tilespmem:$0x18000] =	vst v63  }
0xa8: {  	s31 =	sadd.s32 $0x180900, s22;
	p0 =	por p2, p2;
	s22 =	sadd.s32 $0x240900, s22  }
0xa9: {  	[hbm4b:s31+s2] =	stream.linear.scatter [tilespmem:s14], [sflag:$0x4], $0x1800, $0x38;
	[tilespmem:$0x18000] =	vst v63  }
0xaa: {  	[hbm4b:s22+s2] =	stream.linear.scatter [tilespmem:s15], [sflag:$0x4], $0x1800, $0x38;
	[tilespmem:$0x18000] =	vst v63  }
0xab: {  	s21 =	simm.s32 @!p0 $0x2  }
0xac: {  	_ =	swait.ge @!p0 [sflag:s21], $0x1800  }
0xad: {  	[sflag:s21] =	ssyncset.done @!p0 $0x0  }
0xae: {  	[sflag:s21] =	ssyncadd.s32 @!p0 $0xFFFFE800  }
0xaf: {  	_ =	swait.ge @!p0 [sflag:s21], $0x1800  }
0xb0: {  	[sflag:s21] =	ssyncset.done @!p0 $0x0  }
0xb1: {  	[sflag:s21] =	ssyncadd.s32 @!p0 $0xFFFFE800  }
0xb2: {  	_ =	swait.ge @!p0 [sflag:s21], $0x1800  }
0xb3: {  	[sflag:s21] =	ssyncset.done @!p0 $0x0  }
0xb4: {  	[sflag:s21] =	ssyncadd.s32 @!p0 $0xFFFFE800  }
0xb5: {  	_ =	swait.ge @!p0 [sflag:s21], $0x1800  }
0xb6: {  	s23 =	rddreg [dreg:$0x2];
	[sflag:s21] =	ssyncset.done @!p0 $0x0  }
0xb7: {  	[sflag:s21] =	ssyncadd.s32 @!p0 $0xFFFFE800;
	s20 =	sadd.s32 s20, s23  }
0xb8: {  	[hbm4b:s20+s2] =	stream.linear.scatter [tilespmem:s2], [sflag:$0x1], $0x1800, $0x38;
	[tilespmem:$0x18000] =	vst v63  }
0xb9: {  	s24 =	rddreg [dreg:$0x3];
	s22 =	sadd.s32 $0xC0000, s20  }
0xba: {  	[hbm4b:s22+s2] =	stream.linear.scatter [tilespmem:s24], [sflag:$0x1], $0x1800, $0x38;
	[tilespmem:$0x18000] =	vst v63  }
0xbb: {  	s23 =	rddreg [dreg:$0x4];
	s25 =	sadd.s32 $0x180000, s20  }
0xbc: {  	[hbm4b:s25+s2] =	stream.linear.scatter [tilespmem:s23], [sflag:$0x1], $0x1800, $0x38;
	[tilespmem:$0x18000] =	vst v63  }
0xbd: {  	s26 =	rddreg [dreg:$0x5];
	s28 =	sadd.s32 $0x240000, s20;
	s23 =	simm.s32 @!p0 $0x3  }
0xbe: {  	[hbm4b:s28+s2] =	stream.linear.scatter [tilespmem:s26], [sflag:$0x1], $0x1800, $0x38;
	[tilespmem:$0x18000] =	vst v63  }
0xbf: {  	_ =	swait.ge @!p0 [sflag:s23], $0x1800  }
0xc0: {  	[sflag:s23] =	ssyncset.done @!p0 $0x0  }
0xc1: {  	[sflag:s23] =	ssyncadd.s32 @!p0 $0xFFFFE800  }
0xc2: {  	_ =	swait.ge @!p0 [sflag:s23], $0x1800  }
0xc3: {  	[sflag:s23] =	ssyncset.done @!p0 $0x0  }
0xc4: {  	[sflag:s23] =	ssyncadd.s32 @!p0 $0xFFFFE800  }
0xc5: {  	_ =	swait.ge @!p0 [sflag:s23], $0x1800  }
0xc6: {  	[sflag:s23] =	ssyncset.done @!p0 $0x0  }
0xc7: {  	[sflag:s23] =	ssyncadd.s32 @!p0 $0xFFFFE800  }
0xc8: {  	_ =	swait.ge @!p0 [sflag:s23], $0x1800  }
0xc9: {  	[sflag:s23] =	ssyncset.done @!p0 $0x0  }
0xca: {  	s30 =	sadd.s32 $0x300, s20;
	s29 =	rddreg [dreg:$0x6];
	[sflag:s23] =	ssyncadd.s32 @!p0 $0xFFFFE800  }
0xcb: {  	[hbm4b:s30+s2] =	stream.linear.scatter [tilespmem:s29], [sflag:$0x2], $0x1800, $0x38;
	[tilespmem:$0x18000] =	vst v63  }
0xcc: {  	s31 =	sadd.s32 $0xC0300, s20  }
0xcd: {  	[hbm4b:s31+s2] =	stream.linear.scatter [tilespmem:s4], [sflag:$0x2], $0x1800, $0x38;
	[tilespmem:$0x18000] =	vst v63  }
0xce: {  	s22 =	sadd.s32 $0x180300, s20  }
0xcf: {  	[hbm4b:s22+s2] =	stream.linear.scatter [tilespmem:s5], [sflag:$0x2], $0x1800, $0x38;
	[tilespmem:$0x18000] =	vst v63  }
0xd0: {  	s23 =	sadd.s32 $0x240300, s20;
	s22 =	simm.s32 @!p0 $0x4  }
0xd1: {  	[hbm4b:s23+s2] =	stream.linear.scatter [tilespmem:s6], [sflag:$0x2], $0x1800, $0x38;
	[tilespmem:$0x18000] =	vst v63  }
0xd2: {  	_ =	swait.ge @!p0 [sflag:s22], $0x1800  }
0xd3: {  	[sflag:s22] =	ssyncset.done @!p0 $0x0  }
0xd4: {  	[sflag:s22] =	ssyncadd.s32 @!p0 $0xFFFFE800  }
0xd5: {  	_ =	swait.ge @!p0 [sflag:s22], $0x1800  }
0xd6: {  	[sflag:s22] =	ssyncset.done @!p0 $0x0  }
0xd7: {  	[sflag:s22] =	ssyncadd.s32 @!p0 $0xFFFFE800  }
0xd8: {  	_ =	swait.ge @!p0 [sflag:s22], $0x1800  }
0xd9: {  	[sflag:s22] =	ssyncset.done @!p0 $0x0  }
0xda: {  	[sflag:s22] =	ssyncadd.s32 @!p0 $0xFFFFE800  }
0xdb: {  	_ =	swait.ge @!p0 [sflag:s22], $0x1800  }
0xdc: {  	[sflag:s22] =	ssyncset.done @!p0 $0x0  }
0xdd: {  	s24 =	sadd.s32 $0x600, s20;
	[sflag:s22] =	ssyncadd.s32 @!p0 $0xFFFFE800  }
0xde: {  	[hbm4b:s24+s2] =	stream.linear.scatter [tilespmem:s7], [sflag:$0x3], $0x1800, $0x38;
	[tilespmem:$0x18000] =	vst v63  }
0xdf: {  	s25 =	sadd.s32 $0xC0600, s20  }
0xe0: {  	[hbm4b:s25+s2] =	stream.linear.scatter [tilespmem:s8], [sflag:$0x3], $0x1800, $0x38;
	[tilespmem:$0x18000] =	vst v63  }
0xe1: {  	s26 =	sadd.s32 $0x180600, s20  }
0xe2: {  	[hbm4b:s26+s2] =	stream.linear.scatter [tilespmem:s9], [sflag:$0x3], $0x1800, $0x38;
	[tilespmem:$0x18000] =	vst v63  }
0xe3: {  	s28 =	sadd.s32 $0x240600, s20  }
0xe4: {  	[hbm4b:s28+s2] =	stream.linear.scatter [tilespmem:s10], [sflag:$0x3], $0x1800, $0x38;
	[tilespmem:$0x18000] =	vst v63  }
0xe5: {  	_ =	swait.ge [sflag:s11], $0x1800  }
0xe6: {  	[sflag:s11] =	ssyncset.done $0x0  }
0xe7: {  	[sflag:s11] =	ssyncadd.s32 $0xFFFFE800  }
0xe8: {  	_ =	swait.ge [sflag:s11], $0x1800  }
0xe9: {  	[sflag:s11] =	ssyncset.done $0x0  }
0xea: {  	[sflag:s11] =	ssyncadd.s32 $0xFFFFE800  }
0xeb: {  	_ =	swait.ge [sflag:s11], $0x1800  }
0xec: {  	[sflag:s11] =	ssyncset.done $0x0  }
0xed: {  	[sflag:s11] =	ssyncadd.s32 $0xFFFFE800  }
0xee: {  	_ =	swait.ge [sflag:s11], $0x1800  }
0xef: {  	[sflag:s11] =	ssyncset.done $0x0  }
0xf0: {  	s29 =	sadd.s32 $0x900, s20;
	[sflag:s11] =	ssyncadd.s32 $0xFFFFE800  }
0xf1: {  	[hbm4b:s29+s2] =	stream.linear.scatter [tilespmem:s12], [sflag:$0x4], $0x1800, $0x38;
	[tilespmem:$0x18000] =	vst v63  }
0xf2: {  	s30 =	sadd.s32 $0xC0900, s20  }
0xf3: {  	[hbm4b:s30+s2] =	stream.linear.scatter [tilespmem:s13], [sflag:$0x4], $0x1800, $0x38;
	[tilespmem:$0x18000] =	vst v63  }
0xf4: {  	s31 =	sadd.s32 $0x180900, s20  }
0xf5: {  	[hbm4b:s31+s2] =	stream.linear.scatter [tilespmem:s14], [sflag:$0x4], $0x1800, $0x38;
	[tilespmem:$0x18000] =	vst v63  }
0xf6: {  	s20 =	sadd.s32 $0x240900, s20  }
0xf7: {  	[hbm4b:s20+s2] =	stream.linear.scatter [tilespmem:s15], [sflag:$0x4], $0x1800, $0x38;
	[tilespmem:$0x18000] =	vst v63  }
0xf8: {  	_ =	swait.ge [sflag:s16], $0x1800  }
0xf9: {  	[sflag:s16] =	ssyncset.done $0x0  }
0xfa: {  	[sflag:s16] =	ssyncadd.s32 $0xFFFFE800  }
0xfb: {  	_ =	swait.ge [sflag:s16], $0x1800  }
0xfc: {  	[sflag:s16] =	ssyncset.done $0x0  }
0xfd: {  	[sflag:s16] =	ssyncadd.s32 $0xFFFFE800  }
0xfe: {  	_ =	swait.ge [sflag:s16], $0x1800  }
0xff: {  	[sflag:s16] =	ssyncset.done $0x0  }
0x100: {  	[sflag:s16] =	ssyncadd.s32 $0xFFFFE800  }
0x101: {  	_ =	swait.ge [sflag:s16], $0x1800  }
0x102: {  	[sflag:s16] =	ssyncset.done $0x0  }
0x103: {  	[sflag:s16] =	ssyncadd.s32 $0xFFFFE800  }
0x104: {  	_ =	swait.ge [sflag:s17], $0x1800  }
0x105: {  	[sflag:s17] =	ssyncset.done $0x0  }
0x106: {  	[sflag:s17] =	ssyncadd.s32 $0xFFFFE800  }
0x107: {  	_ =	swait.ge [sflag:s17], $0x1800  }
0x108: {  	[sflag:s17] =	ssyncset.done $0x0  }
0x109: {  	[sflag:s17] =	ssyncadd.s32 $0xFFFFE800  }
0x10a: {  	_ =	swait.ge [sflag:s17], $0x1800  }
0x10b: {  	[sflag:s17] =	ssyncset.done $0x0  }
0x10c: {  	[sflag:s17] =	ssyncadd.s32 $0xFFFFE800  }
0x10d: {  	_ =	swait.ge [sflag:s17], $0x1800  }
0x10e: {  	[sflag:s17] =	ssyncset.done $0x0  }
0x10f: {  	[sflag:s17] =	ssyncadd.s32 $0xFFFFE800  }
0x110: {  	_ =	swait.ge [sflag:s18], $0x1800  }
0x111: {  	[sflag:s18] =	ssyncset.done $0x0  }
0x112: {  	[sflag:s18] =	ssyncadd.s32 $0xFFFFE800  }
0x113: {  	_ =	swait.ge [sflag:s18], $0x1800  }
0x114: {  	[sflag:s18] =	ssyncset.done $0x0  }
0x115: {  	s19 =	sadd.s32 $0x1, s19;
	[sflag:s18] =	ssyncadd.s32 $0xFFFFE800  }
0x116: {  	p0 =	sne.s32 s19, s3;
	_ =	swait.ge [sflag:s18], $0x1800  }
.Ltmp1:
0x117: {  	[sflag:s18] =	ssyncset.done $0x0;
	(pc) =	sbr.rel @p0 .LBB2_1-.Ltmp1, $4  }
0x118: {  	[sflag:s18] =	ssyncadd.s32 $0xFFFFE800  }
0x119: {  	_ =	swait.ge [sflag:s18], $0x1800  }
0x11a: {  	[sflag:s18] =	ssyncset.done $0x0  }
0x11b: {  	[sflag:s18] =	ssyncadd.s32 $0xFFFFE800  }
0x11c: {  	_ =	sfence.sel $0x180000  }
0x11d: {  	[bflag:$0x0] =	sbarrier.arrive $0xFFFF  }
0x11e: {  	p0 =	sne.s32 s0, $0x0;
	_ =	strace $0x90000047  }
0x11f: {  	s0 =	sadd.s32 @!p0 $0x100000, s1;
	[bflag:$0x2] =	sbarrier.arrive $0xFFFF  }
0x120: {  	[sflag:s0] =	ssyncadd.tile.s32 @!p0 $0x1;
	_ =	shalt  }
.Lfunc_end2:
_tile_overlayer_lowered:
.L_overlay_start_2:
0x121: {  	(tag) =	ssettag $0x2  }
0x122: {  	s0 =	rddreg [dreg:$0x0];
	s2 =	stileid.u32  }
0x123: {  	s1 =	rddreg [dreg:$0x1];
	p0 =	sne.s32 s2, $0x0  }
0x124: {  	s3 =	rddreg [dreg:$0x2];
	[bflag:$0x3] =	sbarrier.arrive $0xFFFF;
	s2 =	simm.s32 @!p0 $0x1C05  }
0x125: {  	[timem:s3], [sflag:s2] =	dma.local @!p0 [hbm:s0], s1  }
0x126: {  	s0 =	simm.s32 @!p0 $0x5  }
0x127: {  	_ =	swait.ge @!p0 [sflag:s0], s1  }
0x128: {  	s1 =	ssub.s32 @!p0 $0x0, s1;
	[sflag:s0] =	ssyncset.done @!p0 $0x0  }
0x129: {  	[sflag:s0] =	ssyncadd.s32 @!p0 s1  }
0x12a: {  	[bflag:$0x3] =	sbarrier.arrive $0xFFFF  }
0x12b: {  	_ =	shalt  }

</sc_bundles>
